<compile_context>
chip_gen: v7x
topology: tpu7x:2x2x1
jax: 0.10.2.dev20260603
libtpu: 0.0.44.dev20260713+nightly
codegen_flags: <defaults>
</compile_context>

<pallas_src>
import functools

import jax
import jax.numpy as jnp
from jax import lax
from jax.experimental import pallas as pl
from jax.experimental.pallas import tpu as pltpu
from jax.experimental.pallas import tpu_sc as plsc

_F32 = jnp.float32


def _dd(a, b):
    return jnp.dot(a, b, preferred_element_type=_F32)


def _dh(a, b):
    return jnp.dot(a, b, precision=lax.Precision.HIGHEST,
                   preferred_element_type=_F32)


@functools.cache
def _adj_builder(num_edges: int, n: int, nr: int, nc: int):
    info = plsc.get_sparse_core_info()
    nw = info.num_cores * info.num_subcores
    rows = 24
    assert 16 * (nw - 1) + rows >= nr and nc % 16 == 0 and nr % 8 == 0

    mesh = plsc.VectorSubcoreMesh(core_axis_name="c", subcore_axis_name="s")

    @functools.partial(
        pl.kernel,
        mesh=mesh,
        out_type=jax.ShapeDtypeStruct((nr, nc), _F32),
        scratch_types=[
            pltpu.VMEM((num_edges,), jnp.int32),
            pltpu.VMEM((num_edges,), jnp.int32),
            pltpu.VMEM((rows, nc), _F32),
        ],
        compiler_params=pltpu.CompilerParams(needs_layout_passes=False),
    )
    def build(t_hbm, f_hbm, out_hbm, t_v, f_v, chunk_v):
        wid = lax.axis_index("s") * info.num_cores + lax.axis_index("c")
        base = pl.multiple_of(jnp.minimum(wid * 16, nr - rows), 8)
        pltpu.sync_copy(t_hbm, t_v)
        pltpu.sync_copy(f_hbm, f_v)

        zero16 = jnp.zeros((16,), _F32)

        def zero_body(i, carry):
            for j in range(nc // 16):
                chunk_v[i, pl.ds(j * 16, 16)] = zero16
            return carry

        lax.fori_loop(0, rows, zero_body, 0)

        one16 = jnp.ones((16,), _F32)
        basev = jnp.full((16,), base, jnp.int32)

        def edge_body(i, carry):
            for j in range(4):
                o = i * 64 + j * 16
                t16 = t_v[pl.ds(o, 16)]
                f16 = f_v[pl.ds(o, 16)]
                rrel = t16 - basev
                m = (rrel >= 0) & (rrel < rows)
                plsc.store_scatter(chunk_v, [jnp.where(m, rrel, 0), f16],
                                   one16, mask=m)
            return carry

        lax.fori_loop(0, num_edges // 64, edge_body, 0)
        pltpu.sync_copy(chunk_v, out_hbm.at[pl.ds(base, rows), :])

    return build


def _make_mega(steps: int, feat: int, hid: int, eh: int, ncol: int):
    n = steps + 2
    nr = -(-n // 8) * 8
    nc = -(-(n + 2) // 16) * 16
    tn = 512
    nt = hid // tn
    r = 19
    q = 512

    def body(ops_ref, nh_ref, oph_ref, ew0_ref, ew1_ref, ew2_ref, ew3_ref,
             eb_ref, g10_ref, g11_ref, g12_ref, g13_ref, b1_ref,
             g20_ref, g21_ref, g22_ref, g23_ref, b2_ref,
             fcw_ref, fcb_ref, adj_ref, ga_ref, gb_ref,
             probs_ref, act_ref, logp_ref, ent_ref, x_s, h1_s, lg_s):
        g = pl.program_id(0)

        @pl.when(g == 0)
        def _init():
            lg_s[...] = jnp.zeros_like(lg_s)

        @pl.when(g < nt)
        def _stage1():
            ewq = [ew0_ref[...], ew1_ref[...], ew2_ref[...], ew3_ref[...]]
            nh = nh_ref[...]
            oph = oph_ref[...]
            npj = sum(_dd(nh[:, i * q:(i + 1) * q], ewq[i])
                      for i in range(4))
            p0 = _dd(oph[:, :q], ewq[0]) + _dd(oph[:, q:], ewq[1])
            p1 = _dd(oph[:, :q], ewq[2]) + _dd(oph[:, q:], ewq[3])
            b0t = jnp.concatenate([npj, p0, p1, eb_ref[...]], axis=0)
            ops = ops_ref[...]
            col = lax.broadcasted_iota(jnp.int32, (steps, r), 1)
            sel_lo = ((col == ops[:, 0:1] + 2) | (col == ops[:, 1:2] + 10)
                      | (col == r - 1)).astype(_F32)
            r2 = lax.broadcasted_iota(jnp.int32, (2, r), 0)
            c2 = lax.broadcasted_iota(jnp.int32, (2, r), 1)
            sel_hi = ((c2 == r2) | (c2 == r - 1)).astype(_F32)
            sel = jnp.concatenate(
                [sel_hi, sel_lo, jnp.zeros((nc - n, r), _F32)], axis=0)
            off = pl.multiple_of(g * tn, tn)
            x_s[:, pl.ds(off, tn)] = _dh(sel, b0t)

        @pl.when((g >= nt) & (g < 2 * nt))
        def _stage2():
            t = g - nt
            g1q = [g10_ref[...], g11_ref[...], g12_ref[...], g13_ref[...]]
            xw = sum(_dd(x_s[:, i * q:(i + 1) * q], g1q[i])
                     for i in range(4))
            z1 = _dd(adj_ref[...], xw) + b1_ref[...]
            h1 = jnp.concatenate(
                [jnp.maximum(z1, 0.0), jnp.zeros((nc - nr, tn), _F32)], axis=0)
            off = pl.multiple_of(t * tn, tn)
            h1_s[:, pl.ds(off, tn)] = h1

        @pl.when(g >= 2 * nt)
        def _stage3():
            g2q = [g20_ref[...], g21_ref[...], g22_ref[...], g23_ref[...]]
            u = sum(_dd(h1_s[:, i * q:(i + 1) * q], g2q[i])
                    for i in range(4))
            z2 = _dd(adj_ref[...], u) + b2_ref[...]
            lg_s[...] = lg_s[...] + _dd(z2[2:2 + steps, :], fcw_ref[...])

        @pl.when(g == 3 * nt - 1)
        def _finish():
            logits6 = lg_s[...] + fcb_ref[...]
            la = logits6[:, 0:3]
            lb = logits6[:, 3:6]

            def _smax(l):
                m = jnp.max(l, axis=1, keepdims=True)
                e = jnp.exp(l - m)
                return e / jnp.sum(e, axis=1, keepdims=True)

            pa = _smax(la) + 1e-5
            pb = _smax(lb) + 1e-5
            lpa = jnp.log(pa)
            lpb = jnp.log(pb)
            ya = lpa + ga_ref[...]
            yb = lpb + gb_ref[...]

            def _argmax3(y):
                y0, y1, y2 = y[:, 0:1], y[:, 1:2], y[:, 2:3]
                a = jnp.where(y1 > y0, 1, 0)
                return jnp.where(y2 > jnp.maximum(y0, y1), 2,
                                 a).astype(jnp.int32)

            aa = _argmax3(ya)
            ab = _argmax3(yb)
            c3 = lax.broadcasted_iota(jnp.int32, (steps, 3), 1)
            ona = (c3 == aa).astype(_F32)
            onb = (c3 == ab).astype(_F32)
            logp = jnp.sum(lpa * ona) + jnp.sum(lpb * onb)
            ent = -(jnp.sum(lpa * pa) + jnp.sum(lpb * pb))

            probs_ref[...] = jnp.concatenate([pa, pb], axis=1)
            act_ref[...] = jnp.concatenate([aa, ab], axis=1)
            logp_ref[...] = jnp.broadcast_to(logp, (1, 1))
            ent_ref[...] = jnp.broadcast_to(ent, (1, 1))

    c0 = lambda g: jnp.minimum(g, nt - 1)
    c1 = lambda g: jnp.clip(g - nt, 0, nt - 1)
    c2m = lambda g: jnp.clip(g - 2 * nt, 0, nt - 1)
    fix = lambda g: (0, 0)

    return pl.pallas_call(
        body,
        grid=(3 * nt,),
        in_specs=[
            pl.BlockSpec((steps, 2), fix),
            pl.BlockSpec((2, feat), fix),
            pl.BlockSpec((8, eh), fix),
            pl.BlockSpec((q, tn), lambda g: (0, c0(g))),
            pl.BlockSpec((q, tn), lambda g: (1, c0(g))),
            pl.BlockSpec((q, tn), lambda g: (2, c0(g))),
            pl.BlockSpec((q, tn), lambda g: (3, c0(g))),
            pl.BlockSpec((1, tn), lambda g: (0, c0(g))),
            pl.BlockSpec((q, tn), lambda g: (0, c1(g))),
            pl.BlockSpec((q, tn), lambda g: (1, c1(g))),
            pl.BlockSpec((q, tn), lambda g: (2, c1(g))),
            pl.BlockSpec((q, tn), lambda g: (3, c1(g))),
            pl.BlockSpec((1, tn), lambda g: (0, c1(g))),
            pl.BlockSpec((q, tn), lambda g: (0, c2m(g))),
            pl.BlockSpec((q, tn), lambda g: (1, c2m(g))),
            pl.BlockSpec((q, tn), lambda g: (2, c2m(g))),
            pl.BlockSpec((q, tn), lambda g: (3, c2m(g))),
            pl.BlockSpec((1, tn), lambda g: (0, c2m(g))),
            pl.BlockSpec((tn, 2 * ncol), lambda g: (c2m(g), 0)),
            pl.BlockSpec((1, 2 * ncol), fix),
            pl.BlockSpec((nr, nc), fix),
            pl.BlockSpec((steps, ncol), fix),
            pl.BlockSpec((steps, ncol), fix),
        ],
        out_specs=[
            pl.BlockSpec((steps, 2 * ncol), fix),
            pl.BlockSpec((steps, 2), fix),
            pl.BlockSpec((1, 1), fix),
            pl.BlockSpec((1, 1), fix),
        ],
        out_shape=[
            jax.ShapeDtypeStruct((steps, 2 * ncol), _F32),
            jax.ShapeDtypeStruct((steps, 2), jnp.int32),
            jax.ShapeDtypeStruct((1, 1), _F32),
            jax.ShapeDtypeStruct((1, 1), _F32),
        ],
        scratch_shapes=[
            pltpu.VMEM((nc, feat), _F32),
            pltpu.VMEM((nc, hid), _F32),
            pltpu.VMEM((steps, 2 * ncol), _F32),
        ],
        compiler_params=pltpu.CompilerParams(
            vmem_limit_bytes=60 * 1024 * 1024),
    )


def kernel(ops, f_idx, t_idx, node_hidden, op_hidden, emb_attn_w,
           emb_attn_b, gc1_w, gc1_b, gc2_w, gc2_b, fc_w, fc_b):
    steps = ops.shape[0] // 2
    n = steps + 2
    nr = -(-n // 8) * 8
    nc = -(-(n + 2) // 16) * 16
    feat = emb_attn_w.shape[1]
    hid = gc1_w.shape[1]
    eh = op_hidden.shape[1]
    ncol = fc_w.shape[1] // 2
    ops2 = ops.reshape(steps, 2).astype(jnp.int32)

    build = _adj_builder(2 * steps, n, nr, nc)
    adj = build(t_idx.astype(jnp.int32), f_idx.astype(jnp.int32))

    g = jax.random.gumbel(jax.random.key(1), (2 * steps, ncol), _F32)
    ga, gb = g[0::2], g[1::2]

    probs6, act2, logp, ent = _make_mega(steps, feat, hid, eh, ncol)(
        ops2, node_hidden, op_hidden,
        emb_attn_w, emb_attn_w, emb_attn_w, emb_attn_w,
        emb_attn_b.reshape(1, -1),
        gc1_w, gc1_w, gc1_w, gc1_w, gc1_b.reshape(1, -1),
        gc2_w, gc2_w, gc2_w, gc2_w, gc2_b.reshape(1, -1),
        fc_w, fc_b.reshape(1, -1), adj, ga, gb)

    action = act2.reshape(2 * steps)
    probs = probs6.reshape(2 * steps, ncol)
    return action, logp[0, 0], ent[0, 0], probs

# --- scband reference (transcript-rebuilt; emitter-appended) ---
"""Pipeline reference for scband-arch-transformer-10754598110042 (READ-ONLY COPY).

The authoritative reference and input builder live on the scoring server;
editing this copy changes nothing except your own understanding.
"""

import jax, jax.numpy as jnp
import numpy as np

STEPS = 512
EDGE_HID = 1024
NFEAT = 2048
GCN_HID = 2048
NUM_COMPACT = 8   # len(genotypes.FULLY_CONCAT_PRIMITIVES)
NUM_TRANSFORM = 3 # len(genotypes.TRANSFORM_PRIMITIVES)
N_NODES = STEPS + 2


def setup_inputs(seed: int = 0) -> dict:
    key = jax.random.key(seed)
    ks = jax.random.split(key, 16)
    ops = jax.random.randint(ks[0], (2 * STEPS,), 0, NUM_COMPACT)
    f_idx = jax.random.randint(ks[1], (2 * STEPS,), 0, N_NODES)
    t_idx = jax.random.randint(ks[2], (2 * STEPS,), 0, N_NODES)
    node_hidden = jax.random.normal(ks[3], (2, 2 * EDGE_HID), jnp.float32) * 0.02
    op_hidden = jax.random.normal(ks[4], (NUM_COMPACT, EDGE_HID), jnp.float32) * 0.02
    emb_attn_w = jax.random.normal(ks[5], (2 * EDGE_HID, NFEAT), jnp.float32) * 0.02
    emb_attn_b = jnp.zeros((NFEAT,), jnp.float32)
    gc1_w = jax.random.normal(ks[6], (NFEAT, GCN_HID), jnp.float32) * 0.02
    gc1_b = jnp.zeros((GCN_HID,), jnp.float32)
    gc2_w = jax.random.normal(ks[7], (GCN_HID, GCN_HID), jnp.float32) * 0.02
    gc2_b = jnp.zeros((GCN_HID,), jnp.float32)
    fc_w = jax.random.normal(ks[8], (GCN_HID, 2 * NUM_TRANSFORM), jnp.float32) * 0.02
    fc_b = jnp.zeros((2 * NUM_TRANSFORM,), jnp.float32)
    return {"ops": ops, "f_idx": f_idx, "t_idx": t_idx,
            "node_hidden": node_hidden, "op_hidden": op_hidden,
            "emb_attn_w": emb_attn_w, "emb_attn_b": emb_attn_b,
            "gc1_w": gc1_w, "gc1_b": gc1_b,
            "gc2_w": gc2_w, "gc2_b": gc2_b,
            "fc_w": fc_w, "fc_b": fc_b}


def reference(ops, f_idx, t_idx, node_hidden, op_hidden,
              emb_attn_w, emb_attn_b, gc1_w, gc1_b, gc2_w, gc2_b, fc_w, fc_b):
    steps = ops.shape[0] // 2
    # split arch ops into even/odd positions (op0_list / op1_list)
    op0 = ops[0::2]
    op1 = ops[1::2]
    # embedding lookups
    x_node_hidden = node_hidden                      # node_list = [0, 1]
    x_op0_hidden = jnp.take(op_hidden, op0, axis=0)  # [steps, edge_hid]
    x_op1_hidden = jnp.take(op_hidden, op1, axis=0)  # [steps, edge_hid]
    x_op_hidden = jnp.concatenate([x_op0_hidden, x_op1_hidden], axis=1)  # [steps, 2*edge_hid]
    x_hidden = jnp.concatenate([x_node_hidden, x_op_hidden], axis=0)     # [steps+2, 2*edge_hid]
    x = x_hidden @ emb_attn_w + emb_attn_b           # emb_attn linear
    # utils.parse_arch -> adjacency over steps+2 nodes, edge (f -> t)
    n = steps + 2
    adj = jnp.zeros((n, n), jnp.float32).at[t_idx, f_idx].set(1.0)
    # GraphConvolution: adj @ (x @ W) + b
    x = jax.nn.relu(adj @ (x @ gc1_w) + gc1_b)
    # dropout in eval mode (training=False) is identity
    x = adj @ (x @ gc2_w) + gc2_b
    x = x[2:]
    logits = x @ fc_w + fc_b
    logits = logits.reshape(steps * 2, -1)
    probs = jax.nn.softmax(logits, axis=-1)
    probs = probs + 1e-05
    log_probs = jnp.log(probs)
    # probs.multinomial(num_samples=1)
    action = jax.random.categorical(jax.random.key(1), jnp.log(probs), axis=-1)  # [steps*2]
    selected_log_p = jnp.take_along_axis(log_probs, action[:, None], axis=-1)
    log_p = selected_log_p.sum()
    entropy = -(log_probs * probs).sum()
    # utils.translate_arch is string bookkeeping; return the sampled transform ids
    return (action, log_p, entropy, probs)

if __name__ == "__main__":
    import jax
    _d = setup_inputs()
    print(jax.jit(kernel)(*tuple(_d.values())))

</pallas_src>

<mosaic_0001>
#map = affine_map<(d0, d1) -> (0)>
#map1 = affine_map<(d0, d1) -> (0, 0)>
module attributes {stable_mosaic.version = 14 : i64} {
  func.func @build(%arg0: i32, %arg1: i32, %arg2: memref<1024xi32, #tpu.memory_space<hbm>>, %arg3: memref<1024xi32, #tpu.memory_space<hbm>>, %arg4: memref<520x528xf32, #tpu.memory_space<hbm>>, %arg5: memref<1024xi32, #tpu.memory_space<vmem>>, %arg6: memref<1024xi32, #tpu.memory_space<vmem>>, %arg7: memref<24x528xf32, #tpu.memory_space<vmem>>) attributes {dimension_semantics = [#tpu.dimension_semantics<core_parallel>, #tpu.dimension_semantics<subcore_parallel>], iteration_bounds = array<i64: 2, 16>, scalar_prefetch = 0 : i64, scratch_operands = 3 : i64, tpu.core_type = #tpu.core_type<sc_vector_subcore>, window_params = [{transform_indices = #map}, {transform_indices = #map}, {transform_indices = #map1}]} {
    %mul3A = arith.constant 2 : i32
    %mul3A_0 = arith.muli %arg1, %mul3A : i32
    %add3A = arith.addi %mul3A_0, %arg0 : i32
    %mul3A_1 = arith.constant 16 : i32
    %mul3A_2 = arith.muli %add3A, %mul3A_1 : i32
    %min3A = arith.constant 496 : i32
    %min3A_3 = arith.minsi %mul3A_2, %min3A : i32
    %multiple_of3A = tpu.assume_multiple %min3A_3, 8 : i32
    "tpu.region"() ({
      %run_scoped3A = tpu.sem_alloc : memref<!tpu.dma_semaphore, #tpu.memory_space<semaphore_mem>>
      tpu.enqueue_dma source(%arg2 : memref<1024xi32, #tpu.memory_space<hbm>>) target(%arg5 : memref<1024xi32, #tpu.memory_space<vmem>>) target_semaphore(%run_scoped3A : memref<!tpu.dma_semaphore, #tpu.memory_space<semaphore_mem>>)
      tpu.wait_dma2 semaphore(%run_scoped3A : memref<!tpu.dma_semaphore, #tpu.memory_space<semaphore_mem>>) src(%arg2 : memref<1024xi32, #tpu.memory_space<hbm>>) dst(%arg5 : memref<1024xi32, #tpu.memory_space<vmem>>)
      tpu.yield
    }) : () -> ()
    "tpu.region"() ({
      %run_scoped3A = tpu.sem_alloc : memref<!tpu.dma_semaphore, #tpu.memory_space<semaphore_mem>>
      tpu.enqueue_dma source(%arg3 : memref<1024xi32, #tpu.memory_space<hbm>>) target(%arg6 : memref<1024xi32, #tpu.memory_space<vmem>>) target_semaphore(%run_scoped3A : memref<!tpu.dma_semaphore, #tpu.memory_space<semaphore_mem>>)
      tpu.wait_dma2 semaphore(%run_scoped3A : memref<!tpu.dma_semaphore, #tpu.memory_space<semaphore_mem>>) src(%arg3 : memref<1024xi32, #tpu.memory_space<hbm>>) dst(%arg6 : memref<1024xi32, #tpu.memory_space<vmem>>)
      tpu.yield
    }) : () -> ()
    %broadcast_in_dim3A = arith.constant 0.000000e+00 : f32
    %broadcast_in_dim3A_4 = vector.broadcast %broadcast_in_dim3A : f32 to vector<16xf32>
    %scan3A = arith.constant 0 : i32
    %scan3A_5 = arith.constant 0 : i32
    %scan3A_6 = arith.constant 24 : i32
    %scan3A_7 = arith.addi %scan3A_5, %scan3A_6 : i32
    %scan3A_8 = arith.constant 1 : i32
    scf.for %scan3A_19 = %scan3A_5 to %scan3A_7 step %scan3A_8  : i32 {
      %swap3A = arith.index_cast %scan3A_19 : i32 to index
      %swap3A_20 = arith.constant 0 : index
      %swap3A_21 = tpu.vector_load %arg7[%swap3A, %swap3A_20] {strides = array<i32>} : memref<24x528xf32, #tpu.memory_space<vmem>>, vector<16xf32>,
      tpu.vector_store %arg7[%swap3A, %swap3A_20], %broadcast_in_dim3A_4 {strides = array<i32>} : memref<24x528xf32, #tpu.memory_space<vmem>>, vector<16xf32>,
      %swap3A_22 = arith.index_cast %scan3A_19 : i32 to index
      %swap3A_23 = arith.constant 16 : index
      %swap3A_24 = tpu.vector_load %arg7[%swap3A_22, %swap3A_23] {strides = array<i32>} : memref<24x528xf32, #tpu.memory_space<vmem>>, vector<16xf32>,
      tpu.vector_store %arg7[%swap3A_22, %swap3A_23], %broadcast_in_dim3A_4 {strides = array<i32>} : memref<24x528xf32, #tpu.memory_space<vmem>>, vector<16xf32>,
      %swap3A_25 = arith.index_cast %scan3A_19 : i32 to index
      %swap3A_26 = arith.constant 32 : index
      %swap3A_27 = tpu.vector_load %arg7[%swap3A_25, %swap3A_26] {strides = array<i32>} : memref<24x528xf32, #tpu.memory_space<vmem>>, vector<16xf32>,
      tpu.vector_store %arg7[%swap3A_25, %swap3A_26], %broadcast_in_dim3A_4 {strides = array<i32>} : memref<24x528xf32, #tpu.memory_space<vmem>>, vector<16xf32>,
      %swap3A_28 = arith.index_cast %scan3A_19 : i32 to index
      %swap3A_29 = arith.constant 48 : index
      %swap3A_30 = tpu.vector_load %arg7[%swap3A_28, %swap3A_29] {strides = array<i32>} : memref<24x528xf32, #tpu.memory_space<vmem>>, vector<16xf32>,
      tpu.vector_store %arg7[%swap3A_28, %swap3A_29], %broadcast_in_dim3A_4 {strides = array<i32>} : memref<24x528xf32, #tpu.memory_space<vmem>>, vector<16xf32>,
      %swap3A_31 = arith.index_cast %scan3A_19 : i32 to index
      %swap3A_32 = arith.constant 64 : index
      %swap3A_33 = tpu.vector_load %arg7[%swap3A_31, %swap3A_32] {strides = array<i32>} : memref<24x528xf32, #tpu.memory_space<vmem>>, vector<16xf32>,
      tpu.vector_store %arg7[%swap3A_31, %swap3A_32], %broadcast_in_dim3A_4 {strides = array<i32>} : memref<24x528xf32, #tpu.memory_space<vmem>>, vector<16xf32>,
      %swap3A_34 = arith.index_cast %scan3A_19 : i32 to index
      %swap3A_35 = arith.constant 80 : index
      %swap3A_36 = tpu.vector_load %arg7[%swap3A_34, %swap3A_35] {strides = array<i32>} : memref<24x528xf32, #tpu.memory_space<vmem>>, vector<16xf32>,
      tpu.vector_store %arg7[%swap3A_34, %swap3A_35], %broadcast_in_dim3A_4 {strides = array<i32>} : memref<24x528xf32, #tpu.memory_space<vmem>>, vector<16xf32>,
      %swap3A_37 = arith.index_cast %scan3A_19 : i32 to index
      %swap3A_38 = arith.constant 96 : index
      %swap3A_39 = tpu.vector_load %arg7[%swap3A_37, %swap3A_38] {strides = array<i32>} : memref<24x528xf32, #tpu.memory_space<vmem>>, vector<16xf32>,
      tpu.vector_store %arg7[%swap3A_37, %swap3A_38], %broadcast_in_dim3A_4 {strides = array<i32>} : memref<24x528xf32, #tpu.memory_space<vmem>>, vector<16xf32>,
      %swap3A_40 = arith.index_cast %scan3A_19 : i32 to index
      %swap3A_41 = arith.constant 112 : index
      %swap3A_42 = tpu.vector_load %arg7[%swap3A_40, %swap3A_41] {strides = array<i32>} : memref<24x528xf32, #tpu.memory_space<vmem>>, vector<16xf32>,
      tpu.vector_store %arg7[%swap3A_40, %swap3A_41], %broadcast_in_dim3A_4 {strides = array<i32>} : memref<24x528xf32, #tpu.memory_space<vmem>>, vector<16xf32>,
      %swap3A_43 = arith.index_cast %scan3A_19 : i32 to index
      %swap3A_44 = arith.constant 128 : index
      %swap3A_45 = tpu.vector_load %arg7[%swap3A_43, %swap3A_44] {strides = array<i32>} : memref<24x528xf32, #tpu.memory_space<vmem>>, vector<16xf32>,
      tpu.vector_store %arg7[%swap3A_43, %swap3A_44], %broadcast_in_dim3A_4 {strides = array<i32>} : memref<24x528xf32, #tpu.memory_space<vmem>>, vector<16xf32>,
      %swap3A_46 = arith.index_cast %scan3A_19 : i32 to index
      %swap3A_47 = arith.constant 144 : index
      %swap3A_48 = tpu.vector_load %arg7[%swap3A_46, %swap3A_47] {strides = array<i32>} : memref<24x528xf32, #tpu.memory_space<vmem>>, vector<16xf32>,
      tpu.vector_store %arg7[%swap3A_46, %swap3A_47], %broadcast_in_dim3A_4 {strides = array<i32>} : memref<24x528xf32, #tpu.memory_space<vmem>>, vector<16xf32>,
      %swap3A_49 = arith.index_cast %scan3A_19 : i32 to index
      %swap3A_50 = arith.constant 160 : index
      %swap3A_51 = tpu.vector_load %arg7[%swap3A_49, %swap3A_50] {strides = array<i32>} : memref<24x528xf32, #tpu.memory_space<vmem>>, vector<16xf32>,
      tpu.vector_store %arg7[%swap3A_49, %swap3A_50], %broadcast_in_dim3A_4 {strides = array<i32>} : memref<24x528xf32, #tpu.memory_space<vmem>>, vector<16xf32>,
      %swap3A_52 = arith.index_cast %scan3A_19 : i32 to index
      %swap3A_53 = arith.constant 176 : index
      %swap3A_54 = tpu.vector_load %arg7[%swap3A_52, %swap3A_53] {strides = array<i32>} : memref<24x528xf32, #tpu.memory_space<vmem>>, vector<16xf32>,
      tpu.vector_store %arg7[%swap3A_52, %swap3A_53], %broadcast_in_dim3A_4 {strides = array<i32>} : memref<24x528xf32, #tpu.memory_space<vmem>>, vector<16xf32>,
      %swap3A_55 = arith.index_cast %scan3A_19 : i32 to index
      %swap3A_56 = arith.constant 192 : index
      %swap3A_57 = tpu.vector_load %arg7[%swap3A_55, %swap3A_56] {strides = array<i32>} : memref<24x528xf32, #tpu.memory_space<vmem>>, vector<16xf32>,
      tpu.vector_store %arg7[%swap3A_55, %swap3A_56], %broadcast_in_dim3A_4 {strides = array<i32>} : memref<24x528xf32, #tpu.memory_space<vmem>>, vector<16xf32>,
      %swap3A_58 = arith.index_cast %scan3A_19 : i32 to index
      %swap3A_59 = arith.constant 208 : index
      %swap3A_60 = tpu.vector_load %arg7[%swap3A_58, %swap3A_59] {strides = array<i32>} : memref<24x528xf32, #tpu.memory_space<vmem>>, vector<16xf32>,
      tpu.vector_store %arg7[%swap3A_58, %swap3A_59], %broadcast_in_dim3A_4 {strides = array<i32>} : memref<24x528xf32, #tpu.memory_space<vmem>>, vector<16xf32>,
      %swap3A_61 = arith.index_cast %scan3A_19 : i32 to index
      %swap3A_62 = arith.constant 224 : index
      %swap3A_63 = tpu.vector_load %arg7[%swap3A_61, %swap3A_62] {strides = array<i32>} : memref<24x528xf32, #tpu.memory_space<vmem>>, vector<16xf32>,
      tpu.vector_store %arg7[%swap3A_61, %swap3A_62], %broadcast_in_dim3A_4 {strides = array<i32>} : memref<24x528xf32, #tpu.memory_space<vmem>>, vector<16xf32>,
      %swap3A_64 = arith.index_cast %scan3A_19 : i32 to index
      %swap3A_65 = arith.constant 240 : index
      %swap3A_66 = tpu.vector_load %arg7[%swap3A_64, %swap3A_65] {strides = array<i32>} : memref<24x528xf32, #tpu.memory_space<vmem>>, vector<16xf32>,
      tpu.vector_store %arg7[%swap3A_64, %swap3A_65], %broadcast_in_dim3A_4 {strides = array<i32>} : memref<24x528xf32, #tpu.memory_space<vmem>>, vector<16xf32>,
      %swap3A_67 = arith.index_cast %scan3A_19 : i32 to index
      %swap3A_68 = arith.constant 256 : index
      %swap3A_69 = tpu.vector_load %arg7[%swap3A_67, %swap3A_68] {strides = array<i32>} : memref<24x528xf32, #tpu.memory_space<vmem>>, vector<16xf32>,
      tpu.vector_store %arg7[%swap3A_67, %swap3A_68], %broadcast_in_dim3A_4 {strides = array<i32>} : memref<24x528xf32, #tpu.memory_space<vmem>>, vector<16xf32>,
      %swap3A_70 = arith.index_cast %scan3A_19 : i32 to index
      %swap3A_71 = arith.constant 272 : index
      %swap3A_72 = tpu.vector_load %arg7[%swap3A_70, %swap3A_71] {strides = array<i32>} : memref<24x528xf32, #tpu.memory_space<vmem>>, vector<16xf32>,
      tpu.vector_store %arg7[%swap3A_70, %swap3A_71], %broadcast_in_dim3A_4 {strides = array<i32>} : memref<24x528xf32, #tpu.memory_space<vmem>>, vector<16xf32>,
      %swap3A_73 = arith.index_cast %scan3A_19 : i32 to index
      %swap3A_74 = arith.constant 288 : index
      %swap3A_75 = tpu.vector_load %arg7[%swap3A_73, %swap3A_74] {strides = array<i32>} : memref<24x528xf32, #tpu.memory_space<vmem>>, vector<16xf32>,
      tpu.vector_store %arg7[%swap3A_73, %swap3A_74], %broadcast_in_dim3A_4 {strides = array<i32>} : memref<24x528xf32, #tpu.memory_space<vmem>>, vector<16xf32>,
      %swap3A_76 = arith.index_cast %scan3A_19 : i32 to index
      %swap3A_77 = arith.constant 304 : index
      %swap3A_78 = tpu.vector_load %arg7[%swap3A_76, %swap3A_77] {strides = array<i32>} : memref<24x528xf32, #tpu.memory_space<vmem>>, vector<16xf32>,
      tpu.vector_store %arg7[%swap3A_76, %swap3A_77], %broadcast_in_dim3A_4 {strides = array<i32>} : memref<24x528xf32, #tpu.memory_space<vmem>>, vector<16xf32>,
      %swap3A_79 = arith.index_cast %scan3A_19 : i32 to index
      %swap3A_80 = arith.constant 320 : index
      %swap3A_81 = tpu.vector_load %arg7[%swap3A_79, %swap3A_80] {strides = array<i32>} : memref<24x528xf32, #tpu.memory_space<vmem>>, vector<16xf32>,
      tpu.vector_store %arg7[%swap3A_79, %swap3A_80], %broadcast_in_dim3A_4 {strides = array<i32>} : memref<24x528xf32, #tpu.memory_space<vmem>>, vector<16xf32>,
      %swap3A_82 = arith.index_cast %scan3A_19 : i32 to index
      %swap3A_83 = arith.constant 336 : index
      %swap3A_84 = tpu.vector_load %arg7[%swap3A_82, %swap3A_83] {strides = array<i32>} : memref<24x528xf32, #tpu.memory_space<vmem>>, vector<16xf32>,
      tpu.vector_store %arg7[%swap3A_82, %swap3A_83], %broadcast_in_dim3A_4 {strides = array<i32>} : memref<24x528xf32, #tpu.memory_space<vmem>>, vector<16xf32>,
      %swap3A_85 = arith.index_cast %scan3A_19 : i32 to index
      %swap3A_86 = arith.constant 352 : index
      %swap3A_87 = tpu.vector_load %arg7[%swap3A_85, %swap3A_86] {strides = array<i32>} : memref<24x528xf32, #tpu.memory_space<vmem>>, vector<16xf32>,
      tpu.vector_store %arg7[%swap3A_85, %swap3A_86], %broadcast_in_dim3A_4 {strides = array<i32>} : memref<24x528xf32, #tpu.memory_space<vmem>>, vector<16xf32>,
      %swap3A_88 = arith.index_cast %scan3A_19 : i32 to index
      %swap3A_89 = arith.constant 368 : index
      %swap3A_90 = tpu.vector_load %arg7[%swap3A_88, %swap3A_89] {strides = array<i32>} : memref<24x528xf32, #tpu.memory_space<vmem>>, vector<16xf32>,
      tpu.vector_store %arg7[%swap3A_88, %swap3A_89], %broadcast_in_dim3A_4 {strides = array<i32>} : memref<24x528xf32, #tpu.memory_space<vmem>>, vector<16xf32>,
      %swap3A_91 = arith.index_cast %scan3A_19 : i32 to index
      %swap3A_92 = arith.constant 384 : index
      %swap3A_93 = tpu.vector_load %arg7[%swap3A_91, %swap3A_92] {strides = array<i32>} : memref<24x528xf32, #tpu.memory_space<vmem>>, vector<16xf32>,
      tpu.vector_store %arg7[%swap3A_91, %swap3A_92], %broadcast_in_dim3A_4 {strides = array<i32>} : memref<24x528xf32, #tpu.memory_space<vmem>>, vector<16xf32>,
      %swap3A_94 = arith.index_cast %scan3A_19 : i32 to index
      %swap3A_95 = arith.constant 400 : index
      %swap3A_96 = tpu.vector_load %arg7[%swap3A_94, %swap3A_95] {strides = array<i32>} : memref<24x528xf32, #tpu.memory_space<vmem>>, vector<16xf32>,
      tpu.vector_store %arg7[%swap3A_94, %swap3A_95], %broadcast_in_dim3A_4 {strides = array<i32>} : memref<24x528xf32, #tpu.memory_space<vmem>>, vector<16xf32>,
      %swap3A_97 = arith.index_cast %scan3A_19 : i32 to index
      %swap3A_98 = arith.constant 416 : index
      %swap3A_99 = tpu.vector_load %arg7[%swap3A_97, %swap3A_98] {strides = array<i32>} : memref<24x528xf32, #tpu.memory_space<vmem>>, vector<16xf32>,
      tpu.vector_store %arg7[%swap3A_97, %swap3A_98], %broadcast_in_dim3A_4 {strides = array<i32>} : memref<24x528xf32, #tpu.memory_space<vmem>>, vector<16xf32>,
      %swap3A_100 = arith.index_cast %scan3A_19 : i32 to index
      %swap3A_101 = arith.constant 432 : index
      %swap3A_102 = tpu.vector_load %arg7[%swap3A_100, %swap3A_101] {strides = array<i32>} : memref<24x528xf32, #tpu.memory_space<vmem>>, vector<16xf32>,
      tpu.vector_store %arg7[%swap3A_100, %swap3A_101], %broadcast_in_dim3A_4 {strides = array<i32>} : memref<24x528xf32, #tpu.memory_space<vmem>>, vector<16xf32>,
      %swap3A_103 = arith.index_cast %scan3A_19 : i32 to index
      %swap3A_104 = arith.constant 448 : index
      %swap3A_105 = tpu.vector_load %arg7[%swap3A_103, %swap3A_104] {strides = array<i32>} : memref<24x528xf32, #tpu.memory_space<vmem>>, vector<16xf32>,
      tpu.vector_store %arg7[%swap3A_103, %swap3A_104], %broadcast_in_dim3A_4 {strides = array<i32>} : memref<24x528xf32, #tpu.memory_space<vmem>>, vector<16xf32>,
      %swap3A_106 = arith.index_cast %scan3A_19 : i32 to index
      %swap3A_107 = arith.constant 464 : index
      %swap3A_108 = tpu.vector_load %arg7[%swap3A_106, %swap3A_107] {strides = array<i32>} : memref<24x528xf32, #tpu.memory_space<vmem>>, vector<16xf32>,
      tpu.vector_store %arg7[%swap3A_106, %swap3A_107], %broadcast_in_dim3A_4 {strides = array<i32>} : memref<24x528xf32, #tpu.memory_space<vmem>>, vector<16xf32>,
      %swap3A_109 = arith.index_cast %scan3A_19 : i32 to index
      %swap3A_110 = arith.constant 480 : index
      %swap3A_111 = tpu.vector_load %arg7[%swap3A_109, %swap3A_110] {strides = array<i32>} : memref<24x528xf32, #tpu.memory_space<vmem>>, vector<16xf32>,
      tpu.vector_store %arg7[%swap3A_109, %swap3A_110], %broadcast_in_dim3A_4 {strides = array<i32>} : memref<24x528xf32, #tpu.memory_space<vmem>>, vector<16xf32>,
      %swap3A_112 = arith.index_cast %scan3A_19 : i32 to index
      %swap3A_113 = arith.constant 496 : index
      %swap3A_114 = tpu.vector_load %arg7[%swap3A_112, %swap3A_113] {strides = array<i32>} : memref<24x528xf32, #tpu.memory_space<vmem>>, vector<16xf32>,
      tpu.vector_store %arg7[%swap3A_112, %swap3A_113], %broadcast_in_dim3A_4 {strides = array<i32>} : memref<24x528xf32, #tpu.memory_space<vmem>>, vector<16xf32>,
      %swap3A_115 = arith.index_cast %scan3A_19 : i32 to index
      %swap3A_116 = arith.constant 512 : index
      %swap3A_117 = tpu.vector_load %arg7[%swap3A_115, %swap3A_116] {strides = array<i32>} : memref<24x528xf32, #tpu.memory_space<vmem>>, vector<16xf32>,
      tpu.vector_store %arg7[%swap3A_115, %swap3A_116], %broadcast_in_dim3A_4 {strides = array<i32>} : memref<24x528xf32, #tpu.memory_space<vmem>>, vector<16xf32>,
    }
    %scan3A_9 = arith.constant 24 : i32
    %broadcast_in_dim3A_10 = arith.constant 1.000000e+00 : f32
    %broadcast_in_dim3A_11 = vector.broadcast %broadcast_in_dim3A_10 : f32 to vector<16xf32>
    %broadcast_in_dim3A_12 = vector.broadcast %multiple_of3A : i32 to vector<16xi32>
    %scan3A_13 = arith.constant 0 : i32
    %scan3A_14 = arith.constant 0 : i32
    %scan3A_15 = arith.constant 16 : i32
    %scan3A_16 = arith.addi %scan3A_14, %scan3A_15 : i32
    %scan3A_17 = arith.constant 1 : i32
    scf.for %scan3A_19 = %scan3A_14 to %scan3A_16 step %scan3A_17  : i32 {
      %mul3A_20 = arith.constant 64 : i32
      %mul3A_21 = arith.muli %scan3A_19, %mul3A_20 : i32
      %add3A_22 = arith.constant 0 : i32
      %add3A_23 = arith.addi %mul3A_21, %add3A_22 : i32
      %get3A = arith.index_cast %add3A_23 : i32 to index
      %get3A_24 = tpu.vector_load %arg5[%get3A] {strides = array<i32>} : memref<1024xi32, #tpu.memory_space<vmem>>, vector<16xi32>,
      %get3A_25 = arith.index_cast %add3A_23 : i32 to index
      %get3A_26 = tpu.vector_load %arg6[%get3A_25] {strides = array<i32>} : memref<1024xi32, #tpu.memory_space<vmem>>, vector<16xi32>,
      %sub3A = arith.subi %get3A_24, %broadcast_in_dim3A_12 : vector<16xi32>
      %ge3A = arith.constant 0 : i32
      %ge3A_27 = vector.broadcast %ge3A : i32 to vector<16xi32>
      %ge3A_28 = arith.cmpi sge, %sub3A, %ge3A_27 : vector<16xi32>
      %lt3A = arith.constant 24 : i32
      %lt3A_29 = vector.broadcast %lt3A : i32 to vector<16xi32>
      %lt3A_30 = arith.cmpi slt, %sub3A, %lt3A_29 : vector<16xi32>
      %and3A = arith.andi %ge3A_28, %lt3A_30 : vector<16xi1>
      %jit3A = arith.constant 0 : i32
      %broadcast_in_dim3A_31 = vector.broadcast %jit3A : i32 to vector<16xi32>
      %select_n3A = arith.select %and3A, %sub3A, %broadcast_in_dim3A_31 : vector<16xi1>, vector<16xi32>
      tpu.vector_store_idx %arg7[%select_n3A, %get3A_26], %broadcast_in_dim3A_11 masked %and3A : memref<24x528xf32, #tpu.memory_space<vmem>>[vector<16xi32>, vector<16xi32>], vector<16xf32>, vector<16xi1>
      %mul3A_32 = arith.constant 64 : i32
      %mul3A_33 = arith.muli %scan3A_19, %mul3A_32 : i32
      %add3A_34 = arith.constant 16 : i32
      %add3A_35 = arith.addi %mul3A_33, %add3A_34 : i32
      %get3A_36 = arith.index_cast %add3A_35 : i32 to index
      %get3A_37 = tpu.vector_load %arg5[%get3A_36] {strides = array<i32>} : memref<1024xi32, #tpu.memory_space<vmem>>, vector<16xi32>,
      %get3A_38 = arith.index_cast %add3A_35 : i32 to index
      %get3A_39 = tpu.vector_load %arg6[%get3A_38] {strides = array<i32>} : memref<1024xi32, #tpu.memory_space<vmem>>, vector<16xi32>,
      %sub3A_40 = arith.subi %get3A_37, %broadcast_in_dim3A_12 : vector<16xi32>
      %ge3A_41 = arith.constant 0 : i32
      %ge3A_42 = vector.broadcast %ge3A_41 : i32 to vector<16xi32>
      %ge3A_43 = arith.cmpi sge, %sub3A_40, %ge3A_42 : vector<16xi32>
      %lt3A_44 = arith.constant 24 : i32
      %lt3A_45 = vector.broadcast %lt3A_44 : i32 to vector<16xi32>
      %lt3A_46 = arith.cmpi slt, %sub3A_40, %lt3A_45 : vector<16xi32>
      %and3A_47 = arith.andi %ge3A_43, %lt3A_46 : vector<16xi1>
      %jit3A_48 = arith.constant 0 : i32
      %broadcast_in_dim3A_49 = vector.broadcast %jit3A_48 : i32 to vector<16xi32>
      %select_n3A_50 = arith.select %and3A_47, %sub3A_40, %broadcast_in_dim3A_49 : vector<16xi1>, vector<16xi32>
      tpu.vector_store_idx %arg7[%select_n3A_50, %get3A_39], %broadcast_in_dim3A_11 masked %and3A_47 : memref<24x528xf32, #tpu.memory_space<vmem>>[vector<16xi32>, vector<16xi32>], vector<16xf32>, vector<16xi1>
      %mul3A_51 = arith.constant 64 : i32
      %mul3A_52 = arith.muli %scan3A_19, %mul3A_51 : i32
      %add3A_53 = arith.constant 32 : i32
      %add3A_54 = arith.addi %mul3A_52, %add3A_53 : i32
      %get3A_55 = arith.index_cast %add3A_54 : i32 to index
      %get3A_56 = tpu.vector_load %arg5[%get3A_55] {strides = array<i32>} : memref<1024xi32, #tpu.memory_space<vmem>>, vector<16xi32>,
      %get3A_57 = arith.index_cast %add3A_54 : i32 to index
      %get3A_58 = tpu.vector_load %arg6[%get3A_57] {strides = array<i32>} : memref<1024xi32, #tpu.memory_space<vmem>>, vector<16xi32>,
      %sub3A_59 = arith.subi %get3A_56, %broadcast_in_dim3A_12 : vector<16xi32>
      %ge3A_60 = arith.constant 0 : i32
      %ge3A_61 = vector.broadcast %ge3A_60 : i32 to vector<16xi32>
      %ge3A_62 = arith.cmpi sge, %sub3A_59, %ge3A_61 : vector<16xi32>
      %lt3A_63 = arith.constant 24 : i32
      %lt3A_64 = vector.broadcast %lt3A_63 : i32 to vector<16xi32>
      %lt3A_65 = arith.cmpi slt, %sub3A_59, %lt3A_64 : vector<16xi32>
      %and3A_66 = arith.andi %ge3A_62, %lt3A_65 : vector<16xi1>
      %jit3A_67 = arith.constant 0 : i32
      %broadcast_in_dim3A_68 = vector.broadcast %jit3A_67 : i32 to vector<16xi32>
      %select_n3A_69 = arith.select %and3A_66, %sub3A_59, %broadcast_in_dim3A_68 : vector<16xi1>, vector<16xi32>
      tpu.vector_store_idx %arg7[%select_n3A_69, %get3A_58], %broadcast_in_dim3A_11 masked %and3A_66 : memref<24x528xf32, #tpu.memory_space<vmem>>[vector<16xi32>, vector<16xi32>], vector<16xf32>, vector<16xi1>
      %mul3A_70 = arith.constant 64 : i32
      %mul3A_71 = arith.muli %scan3A_19, %mul3A_70 : i32
      %add3A_72 = arith.constant 48 : i32
      %add3A_73 = arith.addi %mul3A_71, %add3A_72 : i32
      %get3A_74 = arith.index_cast %add3A_73 : i32 to index
      %get3A_75 = tpu.vector_load %arg5[%get3A_74] {strides = array<i32>} : memref<1024xi32, #tpu.memory_space<vmem>>, vector<16xi32>,
      %get3A_76 = arith.index_cast %add3A_73 : i32 to index
      %get3A_77 = tpu.vector_load %arg6[%get3A_76] {strides = array<i32>} : memref<1024xi32, #tpu.memory_space<vmem>>, vector<16xi32>,
      %sub3A_78 = arith.subi %get3A_75, %broadcast_in_dim3A_12 : vector<16xi32>
      %ge3A_79 = arith.constant 0 : i32
      %ge3A_80 = vector.broadcast %ge3A_79 : i32 to vector<16xi32>
      %ge3A_81 = arith.cmpi sge, %sub3A_78, %ge3A_80 : vector<16xi32>
      %lt3A_82 = arith.constant 24 : i32
      %lt3A_83 = vector.broadcast %lt3A_82 : i32 to vector<16xi32>
      %lt3A_84 = arith.cmpi slt, %sub3A_78, %lt3A_83 : vector<16xi32>
      %and3A_85 = arith.andi %ge3A_81, %lt3A_84 : vector<16xi1>
      %jit3A_86 = arith.constant 0 : i32
      %broadcast_in_dim3A_87 = vector.broadcast %jit3A_86 : i32 to vector<16xi32>
      %select_n3A_88 = arith.select %and3A_85, %sub3A_78, %broadcast_in_dim3A_87 : vector<16xi1>, vector<16xi32>
      tpu.vector_store_idx %arg7[%select_n3A_88, %get3A_77], %broadcast_in_dim3A_11 masked %and3A_85 : memref<24x528xf32, #tpu.memory_space<vmem>>[vector<16xi32>, vector<16xi32>], vector<16xf32>, vector<16xi1>
    }
    %scan3A_18 = arith.constant 16 : i32
    "tpu.region"() ({
      %run_scoped3A = tpu.sem_alloc : memref<!tpu.dma_semaphore, #tpu.memory_space<semaphore_mem>>
      %dma_start3A = arith.constant 0 : i32
      %dma_start3A_19 = tpu.memref_slice %arg4[%multiple_of3A, %dma_start3A] : memref<520x528xf32, #tpu.memory_space<hbm>> -> memref<24x528xf32, #tpu.memory_space<hbm>>
      %dma_start3A_20 = arith.constant 0 : i32
      %dma_start3A_21 = tpu.memref_slice %arg4[%multiple_of3A, %dma_start3A_20] : memref<520x528xf32, #tpu.memory_space<hbm>> -> memref<24x528xf32, #tpu.memory_space<hbm>>
      tpu.enqueue_dma source(%arg7 : memref<24x528xf32, #tpu.memory_space<vmem>>) target(%dma_start3A_21 : memref<24x528xf32, #tpu.memory_space<hbm>>) target_semaphore(%run_scoped3A : memref<!tpu.dma_semaphore, #tpu.memory_space<semaphore_mem>>)
      %dma_wait3A = arith.constant 0 : i32
      %dma_wait3A_22 = tpu.memref_slice %arg4[%multiple_of3A, %dma_wait3A] : memref<520x528xf32, #tpu.memory_space<hbm>> -> memref<24x528xf32, #tpu.memory_space<hbm>>
      %dma_wait3A_23 = arith.constant 0 : i32
      %dma_wait3A_24 = tpu.memref_slice %arg4[%multiple_of3A, %dma_wait3A_23] : memref<520x528xf32, #tpu.memory_space<hbm>> -> memref<24x528xf32, #tpu.memory_space<hbm>>
      tpu.wait_dma2 semaphore(%run_scoped3A : memref<!tpu.dma_semaphore, #tpu.memory_space<semaphore_mem>>) src(%arg7 : memref<24x528xf32, #tpu.memory_space<vmem>>) dst(%dma_wait3A_24 : memref<24x528xf32, #tpu.memory_space<hbm>>)
      tpu.yield
    }) : () -> ()
    return
  }
}

module attributes {stable_mosaic.version = 14 : i64} {
  func.func @body(%arg0: i32, %arg1: memref<512x2xi32, #tpu.memory_space<vmem>>, %arg2: memref<2x2048xf32, #tpu.memory_space<vmem>>, %arg3: memref<8x1024xf32, #tpu.memory_space<vmem>>, %arg4: memref<512x512xf32, #tpu.memory_space<vmem>>, %arg5: memref<512x512xf32, #tpu.memory_space<vmem>>, %arg6: memref<512x512xf32, #tpu.memory_space<vmem>>, %arg7: memref<512x512xf32, #tpu.memory_space<vmem>>, %arg8: memref<1x512xf32, #tpu.memory_space<vmem>>, %arg9: memref<512x512xf32, #tpu.memory_space<vmem>>, %arg10: memref<512x512xf32, #tpu.memory_space<vmem>>, %arg11: memref<512x512xf32, #tpu.memory_space<vmem>>, %arg12: memref<512x512xf32, #tpu.memory_space<vmem>>, %arg13: memref<1x512xf32, #tpu.memory_space<vmem>>, %arg14: memref<512x512xf32, #tpu.memory_space<vmem>>, %arg15: memref<512x512xf32, #tpu.memory_space<vmem>>, %arg16: memref<512x512xf32, #tpu.memory_space<vmem>>, %arg17: memref<512x512xf32, #tpu.memory_space<vmem>>, %arg18: memref<1x512xf32, #tpu.memory_space<vmem>>, %arg19: memref<512x6xf32, #tpu.memory_space<vmem>>, %arg20: memref<1x6xf32, #tpu.memory_space<vmem>>, %arg21: memref<520x528xf32, #tpu.memory_space<vmem>>, %arg22: memref<512x3xf32, #tpu.memory_space<vmem>>, %arg23: memref<512x3xf32, #tpu.memory_space<vmem>>, %arg24: memref<512x6xf32, #tpu.memory_space<vmem>>, %arg25: memref<512x2xi32, #tpu.memory_space<vmem>>, %arg26: memref<1x1xf32, #tpu.memory_space<vmem>>, %arg27: memref<1x1xf32, #tpu.memory_space<vmem>>, %arg28: memref<528x2048xf32, #tpu.memory_space<vmem>>, %arg29: memref<528x2048xf32, #tpu.memory_space<vmem>>, %arg30: memref<512x6xf32, #tpu.memory_space<vmem>>) attributes {dimension_semantics = [#tpu.dimension_semantics<arbitrary>], iteration_bounds = array<i64: 12>, scalar_prefetch = 0 : i64, scratch_operands = 3 : i64, tpu.core_type = #tpu.core_type<tc>, window_params = [{pipeline_mode = #tpu.pipeline_mode<synchronous>, transform_indices = @transform_0, window_bounds = array<i64: 512, 2>}, {pipeline_mode = #tpu.pipeline_mode<synchronous>, transform_indices = @transform_1, window_bounds = array<i64: 2, 2048>}, {pipeline_mode = #tpu.pipeline_mode<synchronous>, transform_indices = @transform_2, window_bounds = array<i64: 8, 1024>}, {transform_indices = @transform_3, window_bounds = array<i64: 512, 512>}, {transform_indices = @transform_4, window_bounds = array<i64: 512, 512>}, {transform_indices = @transform_5, window_bounds = array<i64: 512, 512>}, {transform_indices = @transform_6, window_bounds = array<i64: 512, 512>}, {transform_indices = @transform_7, window_bounds = array<i64: 1, 512>}, {transform_indices = @transform_8, window_bounds = array<i64: 512, 512>}, {transform_indices = @transform_9, window_bounds = array<i64: 512, 512>}, {transform_indices = @transform_10, window_bounds = array<i64: 512, 512>}, {transform_indices = @transform_11, window_bounds = array<i64: 512, 512>}, {transform_indices = @transform_12, window_bounds = array<i64: 1, 512>}, {transform_indices = @transform_13, window_bounds = array<i64: 512, 512>}, {transform_indices = @transform_14, window_bounds = array<i64: 512, 512>}, {transform_indices = @transform_15, window_bounds = array<i64: 512, 512>}, {transform_indices = @transform_16, window_bounds = array<i64: 512, 512>}, {transform_indices = @transform_17, window_bounds = array<i64: 1, 512>}, {transform_indices = @transform_18, window_bounds = array<i64: 512, 6>}, {pipeline_mode = #tpu.pipeline_mode<synchronous>, transform_indices = @transform_19, window_bounds = array<i64: 1, 6>}, {pipeline_mode = #tpu.pipeline_mode<synchronous>, transform_indices = @transform_20, window_bounds = array<i64: 520, 528>}, {pipeline_mode = #tpu.pipeline_mode<synchronous>, transform_indices = @transform_21, window_bounds = array<i64: 512, 3>}, {pipeline_mode = #tpu.pipeline_mode<synchronous>, transform_indices = @transform_22, window_bounds = array<i64: 512, 3>}, {pipeline_mode = #tpu.pipeline_mode<synchronous>, transform_indices = @transform_23, window_bounds = array<i64: 512, 6>}, {pipeline_mode = #tpu.pipeline_mode<synchronous>, transform_indices = @transform_24, window_bounds = array<i64: 512, 2>}, {pipeline_mode = #tpu.pipeline_mode<synchronous>, transform_indices = @transform_25, window_bounds = array<i64: 1, 1>}, {pipeline_mode = #tpu.pipeline_mode<synchronous>, transform_indices = @transform_26, window_bounds = array<i64: 1, 1>}]} {
    %eq3A = arith.constant 0 : i32
    %eq3A_0 = arith.cmpi eq, %arg0, %eq3A : i32
    %convert_element_type3A = arith.extui %eq3A_0 : i1 to i32
    %cond3A = arith.constant 0 : i32
    %cond3A_1 = arith.cmpi ne, %convert_element_type3A, %cond3A : i32
    scf.if %cond3A_1 {
      %broadcast_in_dim3A = arith.constant 0.000000e+00 : f32
      %broadcast_in_dim3A_22 = vector.broadcast %broadcast_in_dim3A : f32 to vector<512x6xf32>
      %swap3A = arith.constant 0 : index
      %swap3A_23 = arith.constant 0 : index
      %swap3A_24 = vector.load %arg30[%swap3A, %swap3A_23] : memref<512x6xf32, #tpu.memory_space<vmem>>, vector<512x6xf32>
      tpu.vector_store %arg30[%swap3A, %swap3A_23], %broadcast_in_dim3A_22 {strides = array<i32>} : memref<512x6xf32, #tpu.memory_space<vmem>>, vector<512x6xf32>,
    } else {
    }
    %lt3A = arith.constant 4 : i32
    %lt3A_2 = arith.cmpi slt, %arg0, %lt3A : i32
    %convert_element_type3A_3 = arith.extui %lt3A_2 : i1 to i32
    %cond3A_4 = arith.constant 0 : i32
    %cond3A_5 = arith.cmpi ne, %convert_element_type3A_3, %cond3A_4 : i32
    scf.if %cond3A_5 {
      %get3A = arith.constant 0 : index
      %get3A_22 = arith.constant 0 : index
      %get3A_23 = vector.load %arg4[%get3A, %get3A_22] : memref<512x512xf32, #tpu.memory_space<vmem>>, vector<512x512xf32>
      %get3A_24 = arith.constant 0 : index
      %get3A_25 = arith.constant 0 : index
      %get3A_26 = vector.load %arg5[%get3A_24, %get3A_25] : memref<512x512xf32, #tpu.memory_space<vmem>>, vector<512x512xf32>
      %get3A_27 = arith.constant 0 : index
      %get3A_28 = arith.constant 0 : index
      %get3A_29 = vector.load %arg6[%get3A_27, %get3A_28] : memref<512x512xf32, #tpu.memory_space<vmem>>, vector<512x512xf32>
      %get3A_30 = arith.constant 0 : index
      %get3A_31 = arith.constant 0 : index
      %get3A_32 = vector.load %arg7[%get3A_30, %get3A_31] : memref<512x512xf32, #tpu.memory_space<vmem>>, vector<512x512xf32>
      %get3A_33 = arith.constant 0 : index
      %get3A_34 = arith.constant 0 : index
      %get3A_35 = vector.load %arg2[%get3A_33, %get3A_34] : memref<2x2048xf32, #tpu.memory_space<vmem>>, vector<2x2048xf32>
      %get3A_36 = arith.constant 0 : index
      %get3A_37 = arith.constant 0 : index
      %get3A_38 = vector.load %arg3[%get3A_36, %get3A_37] : memref<8x1024xf32, #tpu.memory_space<vmem>>, vector<8x1024xf32>
      %slice3A = vector.extract_strided_slice %get3A_35 {offsets = [0, 0], sizes = [2, 512], strides = [1, 1]} : vector<2x2048xf32> to vector<2x512xf32>
      %dot_general3A = arith.constant dense<0.000000e+00> : vector<2x512xf32>
      %dot_general3A_39 = tpu.matmul %slice3A, %get3A_23, %dot_general3A {dimension_numbers = #tpu.dot_dimension_numbers<[1], [0], [0], [1], [0, 0, 1, 1], [], []>, transpose_lhs_hint = false} : vector<2x512xf32>, vector<512x512xf32>, vector<2x512xf32> -> vector<2x512xf32>
      %add3A = arith.constant 0.000000e+00 : f32
      %add3A_40 = vector.broadcast %add3A : f32 to vector<2x512xf32>
      %add3A_41 = arith.addf %add3A_40, %dot_general3A_39 : vector<2x512xf32>
      %slice3A_42 = vector.extract_strided_slice %get3A_35 {offsets = [0, 512], sizes = [2, 512], strides = [1, 1]} : vector<2x2048xf32> to vector<2x512xf32>
      %dot_general3A_43 = arith.constant dense<0.000000e+00> : vector<2x512xf32>
      %dot_general3A_44 = tpu.matmul %slice3A_42, %get3A_26, %dot_general3A_43 {dimension_numbers = #tpu.dot_dimension_numbers<[1], [0], [0], [1], [0, 0, 1, 1], [], []>, transpose_lhs_hint = false} : vector<2x512xf32>, vector<512x512xf32>, vector<2x512xf32> -> vector<2x512xf32>
      %add3A_45 = arith.addf %add3A_41, %dot_general3A_44 : vector<2x512xf32>
      %slice3A_46 = vector.extract_strided_slice %get3A_35 {offsets = [0, 1024], sizes = [2, 512], strides = [1, 1]} : vector<2x2048xf32> to vector<2x512xf32>
      %dot_general3A_47 = arith.constant dense<0.000000e+00> : vector<2x512xf32>
      %dot_general3A_48 = tpu.matmul %slice3A_46, %get3A_29, %dot_general3A_47 {dimension_numbers = #tpu.dot_dimension_numbers<[1], [0], [0], [1], [0, 0, 1, 1], [], []>, transpose_lhs_hint = false} : vector<2x512xf32>, vector<512x512xf32>, vector<2x512xf32> -> vector<2x512xf32>
      %add3A_49 = arith.addf %add3A_45, %dot_general3A_48 : vector<2x512xf32>
      %slice3A_50 = vector.extract_strided_slice %get3A_35 {offsets = [0, 1536], sizes = [2, 512], strides = [1, 1]} : vector<2x2048xf32> to vector<2x512xf32>
      %dot_general3A_51 = arith.constant dense<0.000000e+00> : vector<2x512xf32>
      %dot_general3A_52 = tpu.matmul %slice3A_50, %get3A_32, %dot_general3A_51 {dimension_numbers = #tpu.dot_dimension_numbers<[1], [0], [0], [1], [0, 0, 1, 1], [], []>, transpose_lhs_hint = false} : vector<2x512xf32>, vector<512x512xf32>, vector<2x512xf32> -> vector<2x512xf32>
      %add3A_53 = arith.addf %add3A_49, %dot_general3A_52 : vector<2x512xf32>
      %slice3A_54 = vector.extract_strided_slice %get3A_38 {offsets = [0, 0], sizes = [8, 512], strides = [1, 1]} : vector<8x1024xf32> to vector<8x512xf32>
      %dot_general3A_55 = arith.constant dense<0.000000e+00> : vector<8x512xf32>
      %dot_general3A_56 = tpu.matmul %slice3A_54, %get3A_23, %dot_general3A_55 {dimension_numbers = #tpu.dot_dimension_numbers<[1], [0], [0], [1], [0, 0, 1, 1], [], []>, transpose_lhs_hint = false} : vector<8x512xf32>, vector<512x512xf32>, vector<8x512xf32> -> vector<8x512xf32>
      %slice3A_57 = vector.extract_strided_slice %get3A_38 {offsets = [0, 512], sizes = [8, 512], strides = [1, 1]} : vector<8x1024xf32> to vector<8x512xf32>
      %dot_general3A_58 = arith.constant dense<0.000000e+00> : vector<8x512xf32>
      %dot_general3A_59 = tpu.matmul %slice3A_57, %get3A_26, %dot_general3A_58 {dimension_numbers = #tpu.dot_dimension_numbers<[1], [0], [0], [1], [0, 0, 1, 1], [], []>, transpose_lhs_hint = false} : vector<8x512xf32>, vector<512x512xf32>, vector<8x512xf32> -> vector<8x512xf32>
      %add3A_60 = arith.addf %dot_general3A_56, %dot_general3A_59 : vector<8x512xf32>
      %slice3A_61 = vector.extract_strided_slice %get3A_38 {offsets = [0, 0], sizes = [8, 512], strides = [1, 1]} : vector<8x1024xf32> to vector<8x512xf32>
      %dot_general3A_62 = arith.constant dense<0.000000e+00> : vector<8x512xf32>
      %dot_general3A_63 = tpu.matmul %slice3A_61, %get3A_29, %dot_general3A_62 {dimension_numbers = #tpu.dot_dimension_numbers<[1], [0], [0], [1], [0, 0, 1, 1], [], []>, transpose_lhs_hint = false} : vector<8x512xf32>, vector<512x512xf32>, vector<8x512xf32> -> vector<8x512xf32>
      %slice3A_64 = vector.extract_strided_slice %get3A_38 {offsets = [0, 512], sizes = [8, 512], strides = [1, 1]} : vector<8x1024xf32> to vector<8x512xf32>
      %dot_general3A_65 = arith.constant dense<0.000000e+00> : vector<8x512xf32>
      %dot_general3A_66 = tpu.matmul %slice3A_64, %get3A_32, %dot_general3A_65 {dimension_numbers = #tpu.dot_dimension_numbers<[1], [0], [0], [1], [0, 0, 1, 1], [], []>, transpose_lhs_hint = false} : vector<8x512xf32>, vector<512x512xf32>, vector<8x512xf32> -> vector<8x512xf32>
      %add3A_67 = arith.addf %dot_general3A_63, %dot_general3A_66 : vector<8x512xf32>
      %get3A_68 = arith.constant 0 : index
      %get3A_69 = arith.constant 0 : index
      %get3A_70 = vector.load %arg8[%get3A_68, %get3A_69] : memref<1x512xf32, #tpu.memory_space<vmem>>, vector<1x512xf32>
      %concatenate3A = tpu.concatenate %add3A_53, %add3A_60, %add3A_67, %get3A_70 in 0 : vector<2x512xf32>, vector<8x512xf32>, vector<8x512xf32>, vector<1x512xf32> -> vector<19x512xf32>
      %get3A_71 = arith.constant 0 : index
      %get3A_72 = arith.constant 0 : index
      %get3A_73 = vector.load %arg1[%get3A_71, %get3A_72] : memref<512x2xi32, #tpu.memory_space<vmem>>, vector<512x2xi32>
      %iota3A = tpu.iota {dimensions = array<i32: 1>} : vector<512x19xi32>
      %slice3A_74 = vector.extract_strided_slice %get3A_73 {offsets = [0, 0], sizes = [512, 1], strides = [1, 1]} : vector<512x2xi32> to vector<512x1xi32>
      %add3A_75 = arith.constant 2 : i32
      %add3A_76 = vector.broadcast %add3A_75 : i32 to vector<512x1xi32>
      %add3A_77 = arith.addi %slice3A_74, %add3A_76 : vector<512x1xi32>
      %eq3A_78 = vector.broadcast %add3A_77 : vector<512x1xi32> to vector<512x19xi32>
      %eq3A_79 = arith.cmpi eq, %iota3A, %eq3A_78 : vector<512x19xi32>
      %slice3A_80 = vector.extract_strided_slice %get3A_73 {offsets = [0, 1], sizes = [512, 1], strides = [1, 1]} : vector<512x2xi32> to vector<512x1xi32>
      %add3A_81 = arith.constant 10 : i32
      %add3A_82 = vector.broadcast %add3A_81 : i32 to vector<512x1xi32>
      %add3A_83 = arith.addi %slice3A_80, %add3A_82 : vector<512x1xi32>
      %eq3A_84 = vector.broadcast %add3A_83 : vector<512x1xi32> to vector<512x19xi32>
      %eq3A_85 = arith.cmpi eq, %iota3A, %eq3A_84 : vector<512x19xi32>
      %or3A = arith.ori %eq3A_79, %eq3A_85 : vector<512x19xi1>
      %eq3A_86 = arith.constant 18 : i32
      %eq3A_87 = vector.broadcast %eq3A_86 : i32 to vector<512x19xi32>
      %eq3A_88 = arith.cmpi eq, %iota3A, %eq3A_87 : vector<512x19xi32>
      %or3A_89 = arith.ori %or3A, %eq3A_88 : vector<512x19xi1>
      %convert_element_type3A_90 = arith.extui %or3A_89 : vector<512x19xi1> to vector<512x19xi32>
      %convert_element_type3A_91 = arith.sitofp %convert_element_type3A_90 : vector<512x19xi32> to vector<512x19xf32>
      %iota3A_92 = tpu.iota {dimensions = array<i32: 0>} : vector<2x19xi32>
      %iota3A_93 = tpu.iota {dimensions = array<i32: 1>} : vector<2x19xi32>
      %eq3A_94 = arith.cmpi eq, %iota3A_93, %iota3A_92 : vector<2x19xi32>
      %eq3A_95 = arith.constant 18 : i32
      %eq3A_96 = vector.broadcast %eq3A_95 : i32 to vector<2x19xi32>
      %eq3A_97 = arith.cmpi eq, %iota3A_93, %eq3A_96 : vector<2x19xi32>
      %or3A_98 = arith.ori %eq3A_94, %eq3A_97 : vector<2x19xi1>
      %convert_element_type3A_99 = arith.extui %or3A_98 : vector<2x19xi1> to vector<2x19xi32>
      %convert_element_type3A_100 = arith.sitofp %convert_element_type3A_99 : vector<2x19xi32> to vector<2x19xf32>
      %broadcast_in_dim3A = arith.constant 0.000000e+00 : f32
      %broadcast_in_dim3A_101 = vector.broadcast %broadcast_in_dim3A : f32 to vector<14x19xf32>
      %concatenate3A_102 = tpu.concatenate %convert_element_type3A_100, %convert_element_type3A_91, %broadcast_in_dim3A_101 in 0 : vector<2x19xf32>, vector<512x19xf32>, vector<14x19xf32> -> vector<528x19xf32>
      %mul3A = arith.constant 512 : i32
      %mul3A_103 = arith.muli %arg0, %mul3A : i32
      %multiple_of3A = tpu.assume_multiple %mul3A_103, 512 : i32
      %dot_general3A_104 = arith.constant dense<0.000000e+00> : vector<528x512xf32>
      %dot_general3A_105 = tpu.matmul %concatenate3A_102, %concatenate3A, %dot_general3A_104 {dimension_numbers = #tpu.dot_dimension_numbers<[1], [0], [0], [1], [0, 0, 1, 1], [], []>, precision = #tpu.contract_precision<fp32>, transpose_lhs_hint = false} : vector<528x19xf32>, vector<19x512xf32>, vector<528x512xf32> -> vector<528x512xf32>
      %swap3A = arith.constant 0 : index
      %swap3A_106 = arith.index_cast %multiple_of3A : i32 to index
      %swap3A_107 = vector.load %arg28[%swap3A, %swap3A_106] : memref<528x2048xf32, #tpu.memory_space<vmem>>, vector<528x512xf32>
      tpu.vector_store %arg28[%swap3A, %swap3A_106], %dot_general3A_105 {strides = array<i32>} : memref<528x2048xf32, #tpu.memory_space<vmem>>, vector<528x512xf32>,
    } else {
    }
    %ge3A = arith.constant 4 : i32
    %ge3A_6 = arith.cmpi sge, %arg0, %ge3A : i32
    %lt3A_7 = arith.constant 8 : i32
    %lt3A_8 = arith.cmpi slt, %arg0, %lt3A_7 : i32
    %and3A = arith.andi %ge3A_6, %lt3A_8 : i1
    %convert_element_type3A_9 = arith.extui %and3A : i1 to i32
    %cond3A_10 = arith.constant 0 : i32
    %cond3A_11 = arith.cmpi ne, %convert_element_type3A_9, %cond3A_10 : i32
    scf.if %cond3A_11 {
      %sub3A = arith.constant 4 : i32
      %sub3A_22 = arith.subi %arg0, %sub3A : i32
      %get3A = arith.constant 0 : index
      %get3A_23 = arith.constant 0 : index
      %get3A_24 = vector.load %arg9[%get3A, %get3A_23] : memref<512x512xf32, #tpu.memory_space<vmem>>, vector<512x512xf32>
      %get3A_25 = arith.constant 0 : index
      %get3A_26 = arith.constant 0 : index
      %get3A_27 = vector.load %arg10[%get3A_25, %get3A_26] : memref<512x512xf32, #tpu.memory_space<vmem>>, vector<512x512xf32>
      %get3A_28 = arith.constant 0 : index
      %get3A_29 = arith.constant 0 : index
      %get3A_30 = vector.load %arg11[%get3A_28, %get3A_29] : memref<512x512xf32, #tpu.memory_space<vmem>>, vector<512x512xf32>
      %get3A_31 = arith.constant 0 : index
      %get3A_32 = arith.constant 0 : index
      %get3A_33 = vector.load %arg12[%get3A_31, %get3A_32] : memref<512x512xf32, #tpu.memory_space<vmem>>, vector<512x512xf32>
      %get3A_34 = arith.constant 0 : index
      %get3A_35 = arith.constant 0 : index
      %get3A_36 = vector.load %arg28[%get3A_34, %get3A_35] : memref<528x2048xf32, #tpu.memory_space<vmem>>, vector<528x512xf32>
      %dot_general3A = arith.constant dense<0.000000e+00> : vector<528x512xf32>
      %dot_general3A_37 = tpu.matmul %get3A_36, %get3A_24, %dot_general3A {dimension_numbers = #tpu.dot_dimension_numbers<[1], [0], [0], [1], [0, 0, 1, 1], [], []>, transpose_lhs_hint = false} : vector<528x512xf32>, vector<512x512xf32>, vector<528x512xf32> -> vector<528x512xf32>
      %add3A = arith.constant 0.000000e+00 : f32
      %add3A_38 = vector.broadcast %add3A : f32 to vector<528x512xf32>
      %add3A_39 = arith.addf %add3A_38, %dot_general3A_37 : vector<528x512xf32>
      %get3A_40 = arith.constant 0 : index
      %get3A_41 = arith.constant 512 : index
      %get3A_42 = vector.load %arg28[%get3A_40, %get3A_41] : memref<528x2048xf32, #tpu.memory_space<vmem>>, vector<528x512xf32>
      %dot_general3A_43 = arith.constant dense<0.000000e+00> : vector<528x512xf32>
      %dot_general3A_44 = tpu.matmul %get3A_42, %get3A_27, %dot_general3A_43 {dimension_numbers = #tpu.dot_dimension_numbers<[1], [0], [0], [1], [0, 0, 1, 1], [], []>, transpose_lhs_hint = false} : vector<528x512xf32>, vector<512x512xf32>, vector<528x512xf32> -> vector<528x512xf32>
      %add3A_45 = arith.addf %add3A_39, %dot_general3A_44 : vector<528x512xf32>
      %get3A_46 = arith.constant 0 : index
      %get3A_47 = arith.constant 1024 : index
      %get3A_48 = vector.load %arg28[%get3A_46, %get3A_47] : memref<528x2048xf32, #tpu.memory_space<vmem>>, vector<528x512xf32>
      %dot_general3A_49 = arith.constant dense<0.000000e+00> : vector<528x512xf32>
      %dot_general3A_50 = tpu.matmul %get3A_48, %get3A_30, %dot_general3A_49 {dimension_numbers = #tpu.dot_dimension_numbers<[1], [0], [0], [1], [0, 0, 1, 1], [], []>, transpose_lhs_hint = false} : vector<528x512xf32>, vector<512x512xf32>, vector<528x512xf32> -> vector<528x512xf32>
      %add3A_51 = arith.addf %add3A_45, %dot_general3A_50 : vector<528x512xf32>
      %get3A_52 = arith.constant 0 : index
      %get3A_53 = arith.constant 1536 : index
      %get3A_54 = vector.load %arg28[%get3A_52, %get3A_53] : memref<528x2048xf32, #tpu.memory_space<vmem>>, vector<528x512xf32>
      %dot_general3A_55 = arith.constant dense<0.000000e+00> : vector<528x512xf32>
      %dot_general3A_56 = tpu.matmul %get3A_54, %get3A_33, %dot_general3A_55 {dimension_numbers = #tpu.dot_dimension_numbers<[1], [0], [0], [1], [0, 0, 1, 1], [], []>, transpose_lhs_hint = false} : vector<528x512xf32>, vector<512x512xf32>, vector<528x512xf32> -> vector<528x512xf32>
      %add3A_57 = arith.addf %add3A_51, %dot_general3A_56 : vector<528x512xf32>
      %get3A_58 = arith.constant 0 : index
      %get3A_59 = arith.constant 0 : index
      %get3A_60 = vector.load %arg21[%get3A_58, %get3A_59] : memref<520x528xf32, #tpu.memory_space<vmem>>, vector<520x528xf32>
      %dot_general3A_61 = arith.constant dense<0.000000e+00> : vector<520x512xf32>
      %dot_general3A_62 = tpu.matmul %get3A_60, %add3A_57, %dot_general3A_61 {dimension_numbers = #tpu.dot_dimension_numbers<[1], [0], [0], [1], [0, 0, 1, 1], [], []>, transpose_lhs_hint = false} : vector<520x528xf32>, vector<528x512xf32>, vector<520x512xf32> -> vector<520x512xf32>
      %get3A_63 = arith.constant 0 : index
      %get3A_64 = arith.constant 0 : index
      %get3A_65 = vector.load %arg13[%get3A_63, %get3A_64] : memref<1x512xf32, #tpu.memory_space<vmem>>, vector<1x512xf32>
      %add3A_66 = vector.broadcast %get3A_65 : vector<1x512xf32> to vector<520x512xf32>
      %add3A_67 = arith.addf %dot_general3A_62, %add3A_66 : vector<520x512xf32>
      %max3A = arith.constant 0.000000e+00 : f32
      %max3A_68 = vector.broadcast %max3A : f32 to vector<520x512xf32>
      %max3A_69 = arith.maximumf %add3A_67, %max3A_68 : vector<520x512xf32>
      %broadcast_in_dim3A = arith.constant 0.000000e+00 : f32
      %broadcast_in_dim3A_70 = vector.broadcast %broadcast_in_dim3A : f32 to vector<8x512xf32>
      %concatenate3A = tpu.concatenate %max3A_69, %broadcast_in_dim3A_70 in 0 : vector<520x512xf32>, vector<8x512xf32> -> vector<528x512xf32>
      %mul3A = arith.constant 512 : i32
      %mul3A_71 = arith.muli %sub3A_22, %mul3A : i32
      %multiple_of3A = tpu.assume_multiple %mul3A_71, 512 : i32
      %swap3A = arith.constant 0 : index
      %swap3A_72 = arith.index_cast %multiple_of3A : i32 to index
      %swap3A_73 = vector.load %arg29[%swap3A, %swap3A_72] : memref<528x2048xf32, #tpu.memory_space<vmem>>, vector<528x512xf32>
      tpu.vector_store %arg29[%swap3A, %swap3A_72], %concatenate3A {strides = array<i32>} : memref<528x2048xf32, #tpu.memory_space<vmem>>, vector<528x512xf32>,
    } else {
    }
    %ge3A_12 = arith.constant 8 : i32
    %ge3A_13 = arith.cmpi sge, %arg0, %ge3A_12 : i32
    %convert_element_type3A_14 = arith.extui %ge3A_13 : i1 to i32
    %cond3A_15 = arith.constant 0 : i32
    %cond3A_16 = arith.cmpi ne, %convert_element_type3A_14, %cond3A_15 : i32
    scf.if %cond3A_16 {
      %get3A = arith.constant 0 : index
      %get3A_22 = arith.constant 0 : index
      %get3A_23 = vector.load %arg14[%get3A, %get3A_22] : memref<512x512xf32, #tpu.memory_space<vmem>>, vector<512x512xf32>
      %get3A_24 = arith.constant 0 : index
      %get3A_25 = arith.constant 0 : index
      %get3A_26 = vector.load %arg15[%get3A_24, %get3A_25] : memref<512x512xf32, #tpu.memory_space<vmem>>, vector<512x512xf32>
      %get3A_27 = arith.constant 0 : index
      %get3A_28 = arith.constant 0 : index
      %get3A_29 = vector.load %arg16[%get3A_27, %get3A_28] : memref<512x512xf32, #tpu.memory_space<vmem>>, vector<512x512xf32>
      %get3A_30 = arith.constant 0 : index
      %get3A_31 = arith.constant 0 : index
      %get3A_32 = vector.load %arg17[%get3A_30, %get3A_31] : memref<512x512xf32, #tpu.memory_space<vmem>>, vector<512x512xf32>
      %get3A_33 = arith.constant 0 : index
      %get3A_34 = arith.constant 0 : index
      %get3A_35 = vector.load %arg29[%get3A_33, %get3A_34] : memref<528x2048xf32, #tpu.memory_space<vmem>>, vector<528x512xf32>
      %dot_general3A = arith.constant dense<0.000000e+00> : vector<528x512xf32>
      %dot_general3A_36 = tpu.matmul %get3A_35, %get3A_23, %dot_general3A {dimension_numbers = #tpu.dot_dimension_numbers<[1], [0], [0], [1], [0, 0, 1, 1], [], []>, transpose_lhs_hint = false} : vector<528x512xf32>, vector<512x512xf32>, vector<528x512xf32> -> vector<528x512xf32>
      %add3A = arith.constant 0.000000e+00 : f32
      %add3A_37 = vector.broadcast %add3A : f32 to vector<528x512xf32>
      %add3A_38 = arith.addf %add3A_37, %dot_general3A_36 : vector<528x512xf32>
      %get3A_39 = arith.constant 0 : index
      %get3A_40 = arith.constant 512 : index
      %get3A_41 = vector.load %arg29[%get3A_39, %get3A_40] : memref<528x2048xf32, #tpu.memory_space<vmem>>, vector<528x512xf32>
      %dot_general3A_42 = arith.constant dense<0.000000e+00> : vector<528x512xf32>
      %dot_general3A_43 = tpu.matmul %get3A_41, %get3A_26, %dot_general3A_42 {dimension_numbers = #tpu.dot_dimension_numbers<[1], [0], [0], [1], [0, 0, 1, 1], [], []>, transpose_lhs_hint = false} : vector<528x512xf32>, vector<512x512xf32>, vector<528x512xf32> -> vector<528x512xf32>
      %add3A_44 = arith.addf %add3A_38, %dot_general3A_43 : vector<528x512xf32>
      %get3A_45 = arith.constant 0 : index
      %get3A_46 = arith.constant 1024 : index
      %get3A_47 = vector.load %arg29[%get3A_45, %get3A_46] : memref<528x2048xf32, #tpu.memory_space<vmem>>, vector<528x512xf32>
      %dot_general3A_48 = arith.constant dense<0.000000e+00> : vector<528x512xf32>
      %dot_general3A_49 = tpu.matmul %get3A_47, %get3A_29, %dot_general3A_48 {dimension_numbers = #tpu.dot_dimension_numbers<[1], [0], [0], [1], [0, 0, 1, 1], [], []>, transpose_lhs_hint = false} : vector<528x512xf32>, vector<512x512xf32>, vector<528x512xf32> -> vector<528x512xf32>
      %add3A_50 = arith.addf %add3A_44, %dot_general3A_49 : vector<528x512xf32>
      %get3A_51 = arith.constant 0 : index
      %get3A_52 = arith.constant 1536 : index
      %get3A_53 = vector.load %arg29[%get3A_51, %get3A_52] : memref<528x2048xf32, #tpu.memory_space<vmem>>, vector<528x512xf32>
      %dot_general3A_54 = arith.constant dense<0.000000e+00> : vector<528x512xf32>
      %dot_general3A_55 = tpu.matmul %get3A_53, %get3A_32, %dot_general3A_54 {dimension_numbers = #tpu.dot_dimension_numbers<[1], [0], [0], [1], [0, 0, 1, 1], [], []>, transpose_lhs_hint = false} : vector<528x512xf32>, vector<512x512xf32>, vector<528x512xf32> -> vector<528x512xf32>
      %add3A_56 = arith.addf %add3A_50, %dot_general3A_55 : vector<528x512xf32>
      %get3A_57 = arith.constant 0 : index
      %get3A_58 = arith.constant 0 : index
      %get3A_59 = vector.load %arg21[%get3A_57, %get3A_58] : memref<520x528xf32, #tpu.memory_space<vmem>>, vector<520x528xf32>
      %dot_general3A_60 = arith.constant dense<0.000000e+00> : vector<520x512xf32>
      %dot_general3A_61 = tpu.matmul %get3A_59, %add3A_56, %dot_general3A_60 {dimension_numbers = #tpu.dot_dimension_numbers<[1], [0], [0], [1], [0, 0, 1, 1], [], []>, transpose_lhs_hint = false} : vector<520x528xf32>, vector<528x512xf32>, vector<520x512xf32> -> vector<520x512xf32>
      %get3A_62 = arith.constant 0 : index
      %get3A_63 = arith.constant 0 : index
      %get3A_64 = vector.load %arg18[%get3A_62, %get3A_63] : memref<1x512xf32, #tpu.memory_space<vmem>>, vector<1x512xf32>
      %add3A_65 = vector.broadcast %get3A_64 : vector<1x512xf32> to vector<520x512xf32>
      %add3A_66 = arith.addf %dot_general3A_61, %add3A_65 : vector<520x512xf32>
      %get3A_67 = arith.constant 0 : index
      %get3A_68 = arith.constant 0 : index
      %get3A_69 = vector.load %arg30[%get3A_67, %get3A_68] : memref<512x6xf32, #tpu.memory_space<vmem>>, vector<512x6xf32>
      %slice3A = vector.extract_strided_slice %add3A_66 {offsets = [2, 0], sizes = [512, 512], strides = [1, 1]} : vector<520x512xf32> to vector<512x512xf32>
      %get3A_70 = arith.constant 0 : index
      %get3A_71 = arith.constant 0 : index
      %get3A_72 = vector.load %arg19[%get3A_70, %get3A_71] : memref<512x6xf32, #tpu.memory_space<vmem>>, vector<512x6xf32>
      %dot_general3A_73 = arith.constant dense<0.000000e+00> : vector<512x6xf32>
      %dot_general3A_74 = tpu.matmul %slice3A, %get3A_72, %dot_general3A_73 {dimension_numbers = #tpu.dot_dimension_numbers<[1], [0], [0], [1], [0, 0, 1, 1], [], []>, transpose_lhs_hint = false} : vector<512x512xf32>, vector<512x6xf32>, vector<512x6xf32> -> vector<512x6xf32>
      %add3A_75 = arith.addf %get3A_69, %dot_general3A_74 : vector<512x6xf32>
      %swap3A = arith.constant 0 : index
      %swap3A_76 = arith.constant 0 : index
      %swap3A_77 = vector.load %arg30[%swap3A, %swap3A_76] : memref<512x6xf32, #tpu.memory_space<vmem>>, vector<512x6xf32>
      tpu.vector_store %arg30[%swap3A, %swap3A_76], %add3A_75 {strides = array<i32>} : memref<512x6xf32, #tpu.memory_space<vmem>>, vector<512x6xf32>,
    } else {
    }
    %eq3A_17 = arith.constant 11 : i32
    %eq3A_18 = arith.cmpi eq, %arg0, %eq3A_17 : i32
    %convert_element_type3A_19 = arith.extui %eq3A_18 : i1 to i32
    %cond3A_20 = arith.constant 0 : i32
    %cond3A_21 = arith.cmpi ne, %convert_element_type3A_19, %cond3A_20 : i32
    scf.if %cond3A_21 {
      %get3A = arith.constant 0 : index
      %get3A_22 = arith.constant 0 : index
      %get3A_23 = vector.load %arg30[%get3A, %get3A_22] : memref<512x6xf32, #tpu.memory_space<vmem>>, vector<512x6xf32>
      %get3A_24 = arith.constant 0 : index
      %get3A_25 = arith.constant 0 : index
      %get3A_26 = vector.load %arg20[%get3A_24, %get3A_25] : memref<1x6xf32, #tpu.memory_space<vmem>>, vector<1x6xf32>
      %add3A = vector.broadcast %get3A_26 : vector<1x6xf32> to vector<512x6xf32>
      %add3A_27 = arith.addf %get3A_23, %add3A : vector<512x6xf32>
      %slice3A = vector.extract_strided_slice %add3A_27 {offsets = [0, 0], sizes = [512, 3], strides = [1, 1]} : vector<512x6xf32> to vector<512x3xf32>
      %slice3A_28 = vector.extract_strided_slice %add3A_27 {offsets = [0, 3], sizes = [512, 3], strides = [1, 1]} : vector<512x6xf32> to vector<512x3xf32>
      %reduce_max3A = arith.constant dense<0xFF800000> : vector<512xf32>
      %reduce_max3A_29 = vector.multi_reduction <maximumf>, %slice3A, %reduce_max3A [1] : vector<512x3xf32> to vector<512xf32>
      %broadcast_in_dim3A = vector.shape_cast %reduce_max3A_29 : vector<512xf32> to vector<512x1xf32>
      %sub3A = vector.broadcast %broadcast_in_dim3A : vector<512x1xf32> to vector<512x3xf32>
      %sub3A_30 = arith.subf %slice3A, %sub3A : vector<512x3xf32>
      %exp3A = math.exp %sub3A_30 : vector<512x3xf32>
      %reduce_sum3A = arith.constant dense<0.000000e+00> : vector<512xf32>
      %reduce_sum3A_31 = vector.multi_reduction <add>, %exp3A, %reduce_sum3A [1] : vector<512x3xf32> to vector<512xf32>
      %broadcast_in_dim3A_32 = vector.shape_cast %reduce_sum3A_31 : vector<512xf32> to vector<512x1xf32>
      %div3A = vector.broadcast %broadcast_in_dim3A_32 : vector<512x1xf32> to vector<512x3xf32>
      %div3A_33 = arith.divf %exp3A, %div3A : vector<512x3xf32>
      %add3A_34 = arith.constant 9.99999974E-6 : f32
      %add3A_35 = vector.broadcast %add3A_34 : f32 to vector<512x3xf32>
      %add3A_36 = arith.addf %div3A_33, %add3A_35 : vector<512x3xf32>
      %reduce_max3A_37 = arith.constant dense<0xFF800000> : vector<512xf32>
      %reduce_max3A_38 = vector.multi_reduction <maximumf>, %slice3A_28, %reduce_max3A_37 [1] : vector<512x3xf32> to vector<512xf32>
      %broadcast_in_dim3A_39 = vector.shape_cast %reduce_max3A_38 : vector<512xf32> to vector<512x1xf32>
      %sub3A_40 = vector.broadcast %broadcast_in_dim3A_39 : vector<512x1xf32> to vector<512x3xf32>
      %sub3A_41 = arith.subf %slice3A_28, %sub3A_40 : vector<512x3xf32>
      %exp3A_42 = math.exp %sub3A_41 : vector<512x3xf32>
      %reduce_sum3A_43 = arith.constant dense<0.000000e+00> : vector<512xf32>
      %reduce_sum3A_44 = vector.multi_reduction <add>, %exp3A_42, %reduce_sum3A_43 [1] : vector<512x3xf32> to vector<512xf32>
      %broadcast_in_dim3A_45 = vector.shape_cast %reduce_sum3A_44 : vector<512xf32> to vector<512x1xf32>
      %div3A_46 = vector.broadcast %broadcast_in_dim3A_45 : vector<512x1xf32> to vector<512x3xf32>
      %div3A_47 = arith.divf %exp3A_42, %div3A_46 : vector<512x3xf32>
      %add3A_48 = arith.constant 9.99999974E-6 : f32
      %add3A_49 = vector.broadcast %add3A_48 : f32 to vector<512x3xf32>
      %add3A_50 = arith.addf %div3A_47, %add3A_49 : vector<512x3xf32>
      %log3A = math.log %add3A_36 : vector<512x3xf32>
      %log3A_51 = math.log %add3A_50 : vector<512x3xf32>
      %get3A_52 = arith.constant 0 : index
      %get3A_53 = arith.constant 0 : index
      %get3A_54 = vector.load %arg22[%get3A_52, %get3A_53] : memref<512x3xf32, #tpu.memory_space<vmem>>, vector<512x3xf32>
      %add3A_55 = arith.addf %log3A, %get3A_54 : vector<512x3xf32>
      %get3A_56 = arith.constant 0 : index
      %get3A_57 = arith.constant 0 : index
      %get3A_58 = vector.load %arg23[%get3A_56, %get3A_57] : memref<512x3xf32, #tpu.memory_space<vmem>>, vector<512x3xf32>
      %add3A_59 = arith.addf %log3A_51, %get3A_58 : vector<512x3xf32>
      %slice3A_60 = vector.extract_strided_slice %add3A_55 {offsets = [0, 0], sizes = [512, 1], strides = [1, 1]} : vector<512x3xf32> to vector<512x1xf32>
      %slice3A_61 = vector.extract_strided_slice %add3A_55 {offsets = [0, 1], sizes = [512, 1], strides = [1, 1]} : vector<512x3xf32> to vector<512x1xf32>
      %slice3A_62 = vector.extract_strided_slice %add3A_55 {offsets = [0, 2], sizes = [512, 1], strides = [1, 1]} : vector<512x3xf32> to vector<512x1xf32>
      %gt3A = arith.cmpf ogt, %slice3A_61, %slice3A_60 : vector<512x1xf32>
      %jit3A = arith.constant 1 : i32
      %jit3A_63 = arith.constant 0 : i32
      %broadcast_in_dim3A_64 = vector.broadcast %jit3A : i32 to vector<512x1xi32>
      %broadcast_in_dim3A_65 = vector.broadcast %jit3A_63 : i32 to vector<512x1xi32>
      %select_n3A = arith.select %gt3A, %broadcast_in_dim3A_64, %broadcast_in_dim3A_65 : vector<512x1xi1>, vector<512x1xi32>
      %max3A = arith.maximumf %slice3A_60, %slice3A_61 : vector<512x1xf32>
      %gt3A_66 = arith.cmpf ogt, %slice3A_62, %max3A : vector<512x1xf32>
      %jit3A_67 = arith.constant 2 : i32
      %broadcast_in_dim3A_68 = vector.broadcast %jit3A_67 : i32 to vector<512x1xi32>
      %select_n3A_69 = arith.select %gt3A_66, %broadcast_in_dim3A_68, %select_n3A : vector<512x1xi1>, vector<512x1xi32>
      %slice3A_70 = vector.extract_strided_slice %add3A_59 {offsets = [0, 0], sizes = [512, 1], strides = [1, 1]} : vector<512x3xf32> to vector<512x1xf32>
      %slice3A_71 = vector.extract_strided_slice %add3A_59 {offsets = [0, 1], sizes = [512, 1], strides = [1, 1]} : vector<512x3xf32> to vector<512x1xf32>
      %slice3A_72 = vector.extract_strided_slice %add3A_59 {offsets = [0, 2], sizes = [512, 1], strides = [1, 1]} : vector<512x3xf32> to vector<512x1xf32>
      %gt3A_73 = arith.cmpf ogt, %slice3A_71, %slice3A_70 : vector<512x1xf32>
      %jit3A_74 = arith.constant 1 : i32
      %jit3A_75 = arith.constant 0 : i32
      %broadcast_in_dim3A_76 = vector.broadcast %jit3A_74 : i32 to vector<512x1xi32>
      %broadcast_in_dim3A_77 = vector.broadcast %jit3A_75 : i32 to vector<512x1xi32>
      %select_n3A_78 = arith.select %gt3A_73, %broadcast_in_dim3A_76, %broadcast_in_dim3A_77 : vector<512x1xi1>, vector<512x1xi32>
      %max3A_79 = arith.maximumf %slice3A_70, %slice3A_71 : vector<512x1xf32>
      %gt3A_80 = arith.cmpf ogt, %slice3A_72, %max3A_79 : vector<512x1xf32>
      %jit3A_81 = arith.constant 2 : i32
      %broadcast_in_dim3A_82 = vector.broadcast %jit3A_81 : i32 to vector<512x1xi32>
      %select_n3A_83 = arith.select %gt3A_80, %broadcast_in_dim3A_82, %select_n3A_78 : vector<512x1xi1>, vector<512x1xi32>
      %iota3A = tpu.iota {dimensions = array<i32: 1>} : vector<512x3xi32>
      %eq3A_84 = vector.broadcast %select_n3A_69 : vector<512x1xi32> to vector<512x3xi32>
      %eq3A_85 = arith.cmpi eq, %iota3A, %eq3A_84 : vector<512x3xi32>
      %convert_element_type3A_86 = arith.extui %eq3A_85 : vector<512x3xi1> to vector<512x3xi32>
      %convert_element_type3A_87 = arith.sitofp %convert_element_type3A_86 : vector<512x3xi32> to vector<512x3xf32>
      %eq3A_88 = vector.broadcast %select_n3A_83 : vector<512x1xi32> to vector<512x3xi32>
      %eq3A_89 = arith.cmpi eq, %iota3A, %eq3A_88 : vector<512x3xi32>
      %convert_element_type3A_90 = arith.extui %eq3A_89 : vector<512x3xi1> to vector<512x3xi32>
      %convert_element_type3A_91 = arith.sitofp %convert_element_type3A_90 : vector<512x3xi32> to vector<512x3xf32>
      %mul3A = arith.mulf %log3A, %convert_element_type3A_87 : vector<512x3xf32>
      %reduce_sum3A_92 = vector.shape_cast %mul3A : vector<512x3xf32> to vector<1x512x3xf32>
      %reduce_sum3A_93 = arith.constant dense<0.000000e+00> : vector<1xf32>
      %reduce_sum3A_94 = vector.multi_reduction <add>, %reduce_sum3A_92, %reduce_sum3A_93 [1, 2] : vector<1x512x3xf32> to vector<1xf32>
      %reduce_sum3A_95 = vector.shape_cast %reduce_sum3A_94 : vector<1xf32> to vector<1x1x1xf32>
      %reduce_sum3A_96 = vector.extract %reduce_sum3A_95[0, 0, 0] : f32 from vector<1x1x1xf32>
      %mul3A_97 = arith.mulf %log3A_51, %convert_element_type3A_91 : vector<512x3xf32>
      %reduce_sum3A_98 = vector.shape_cast %mul3A_97 : vector<512x3xf32> to vector<1x512x3xf32>
      %reduce_sum3A_99 = arith.constant dense<0.000000e+00> : vector<1xf32>
      %reduce_sum3A_100 = vector.multi_reduction <add>, %reduce_sum3A_98, %reduce_sum3A_99 [1, 2] : vector<1x512x3xf32> to vector<1xf32>
      %reduce_sum3A_101 = vector.shape_cast %reduce_sum3A_100 : vector<1xf32> to vector<1x1x1xf32>
      %reduce_sum3A_102 = vector.extract %reduce_sum3A_101[0, 0, 0] : f32 from vector<1x1x1xf32>
      %add3A_103 = arith.addf %reduce_sum3A_96, %reduce_sum3A_102 : f32
      %mul3A_104 = arith.mulf %log3A, %add3A_36 : vector<512x3xf32>
      %reduce_sum3A_105 = vector.shape_cast %mul3A_104 : vector<512x3xf32> to vector<1x512x3xf32>
      %reduce_sum3A_106 = arith.constant dense<0.000000e+00> : vector<1xf32>
      %reduce_sum3A_107 = vector.multi_reduction <add>, %reduce_sum3A_105, %reduce_sum3A_106 [1, 2] : vector<1x512x3xf32> to vector<1xf32>
      %reduce_sum3A_108 = vector.shape_cast %reduce_sum3A_107 : vector<1xf32> to vector<1x1x1xf32>
      %reduce_sum3A_109 = vector.extract %reduce_sum3A_108[0, 0, 0] : f32 from vector<1x1x1xf32>
      %mul3A_110 = arith.mulf %log3A_51, %add3A_50 : vector<512x3xf32>
      %reduce_sum3A_111 = vector.shape_cast %mul3A_110 : vector<512x3xf32> to vector<1x512x3xf32>
      %reduce_sum3A_112 = arith.constant dense<0.000000e+00> : vector<1xf32>
      %reduce_sum3A_113 = vector.multi_reduction <add>, %reduce_sum3A_111, %reduce_sum3A_112 [1, 2] : vector<1x512x3xf32> to vector<1xf32>
      %reduce_sum3A_114 = vector.shape_cast %reduce_sum3A_113 : vector<1xf32> to vector<1x1x1xf32>
      %reduce_sum3A_115 = vector.extract %reduce_sum3A_114[0, 0, 0] : f32 from vector<1x1x1xf32>
      %add3A_116 = arith.addf %reduce_sum3A_109, %reduce_sum3A_115 : f32
      %neg3A = arith.constant 0.000000e+00 : f32
      %neg3A_117 = arith.subf %neg3A, %add3A_116 : f32
      %concatenate3A = tpu.concatenate %add3A_36, %add3A_50 in 1 : vector<512x3xf32>, vector<512x3xf32> -> vector<512x6xf32>
      %swap3A = arith.constant 0 : index
      %swap3A_118 = arith.constant 0 : index
      %swap3A_119 = vector.load %arg24[%swap3A, %swap3A_118] : memref<512x6xf32, #tpu.memory_space<vmem>>, vector<512x6xf32>
      tpu.vector_store %arg24[%swap3A, %swap3A_118], %concatenate3A {strides = array<i32>} : memref<512x6xf32, #tpu.memory_space<vmem>>, vector<512x6xf32>,
      %concatenate3A_120 = tpu.concatenate %select_n3A_69, %select_n3A_83 in 1 : vector<512x1xi32>, vector<512x1xi32> -> vector<512x2xi32>
      %swap3A_121 = arith.constant 0 : index
      %swap3A_122 = arith.constant 0 : index
      %swap3A_123 = vector.load %arg25[%swap3A_121, %swap3A_122] : memref<512x2xi32, #tpu.memory_space<vmem>>, vector<512x2xi32>
      tpu.vector_store %arg25[%swap3A_121, %swap3A_122], %concatenate3A_120 {strides = array<i32>} : memref<512x2xi32, #tpu.memory_space<vmem>>, vector<512x2xi32>,
      %broadcast_in_dim3A_124 = vector.broadcast %add3A_103 : f32 to vector<1x1xf32>
      %swap3A_125 = arith.constant 0 : index
      %swap3A_126 = arith.constant 0 : index
      %swap3A_127 = vector.load %arg26[%swap3A_125, %swap3A_126] : memref<1x1xf32, #tpu.memory_space<vmem>>, vector<1x1xf32>
      tpu.vector_store %arg26[%swap3A_125, %swap3A_126], %broadcast_in_dim3A_124 {strides = array<i32>} : memref<1x1xf32, #tpu.memory_space<vmem>>, vector<1x1xf32>,
      %broadcast_in_dim3A_128 = vector.broadcast %neg3A_117 : f32 to vector<1x1xf32>
      %swap3A_129 = arith.constant 0 : index
      %swap3A_130 = arith.constant 0 : index
      %swap3A_131 = vector.load %arg27[%swap3A_129, %swap3A_130] : memref<1x1xf32, #tpu.memory_space<vmem>>, vector<1x1xf32>
      tpu.vector_store %arg27[%swap3A_129, %swap3A_130], %broadcast_in_dim3A_128 {strides = array<i32>} : memref<1x1xf32, #tpu.memory_space<vmem>>, vector<1x1xf32>,
    } else {
    }
    return
  }
  func.func @transform_0(%arg0: i32) -> (i32, i32) {
    %c0_i32 = arith.constant 0 : i32
    %c0_i32_0 = arith.constant 0 : i32
    %c0_i32_1 = arith.constant 0 : i32
    return %c0_i32, %c0_i32_0 : i32, i32
  }
  func.func @transform_1(%arg0: i32) -> (i32, i32) {
    %c0_i32 = arith.constant 0 : i32
    %c0_i32_0 = arith.constant 0 : i32
    %c0_i32_1 = arith.constant 0 : i32
    return %c0_i32, %c0_i32_0 : i32, i32
  }
  func.func @transform_2(%arg0: i32) -> (i32, i32) {
    %c0_i32 = arith.constant 0 : i32
    %c0_i32_0 = arith.constant 0 : i32
    %c0_i32_1 = arith.constant 0 : i32
    return %c0_i32, %c0_i32_0 : i32, i32
  }
  func.func @transform_3(%arg0: i32) -> (i32, i32) {
    %min3A = arith.constant 3 : i32
    %min3A_0 = arith.minsi %arg0, %min3A : i32
    %c0_i32 = arith.constant 0 : i32
    %c0_i32_1 = arith.constant 0 : i32
    return %c0_i32, %min3A_0 : i32, i32
  }
  func.func @transform_4(%arg0: i32) -> (i32, i32) {
    %min3A = arith.constant 3 : i32
    %min3A_0 = arith.minsi %arg0, %min3A : i32
    %c1_i32 = arith.constant 1 : i32
    %c0_i32 = arith.constant 0 : i32
    return %c1_i32, %min3A_0 : i32, i32
  }
  func.func @transform_5(%arg0: i32) -> (i32, i32) {
    %min3A = arith.constant 3 : i32
    %min3A_0 = arith.minsi %arg0, %min3A : i32
    %c2_i32 = arith.constant 2 : i32
    %c0_i32 = arith.constant 0 : i32
    return %c2_i32, %min3A_0 : i32, i32
  }
  func.func @transform_6(%arg0: i32) -> (i32, i32) {
    %min3A = arith.constant 3 : i32
    %min3A_0 = arith.minsi %arg0, %min3A : i32
    %c3_i32 = arith.constant 3 : i32
    %c0_i32 = arith.constant 0 : i32
    return %c3_i32, %min3A_0 : i32, i32
  }
  func.func @transform_7(%arg0: i32) -> (i32, i32) {
    %min3A = arith.constant 3 : i32
    %min3A_0 = arith.minsi %arg0, %min3A : i32
    %c0_i32 = arith.constant 0 : i32
    %c0_i32_1 = arith.constant 0 : i32
    return %c0_i32, %min3A_0 : i32, i32
  }
  func.func @transform_8(%arg0: i32) -> (i32, i32) {
    %sub3A = arith.constant 4 : i32
    %sub3A_0 = arith.subi %arg0, %sub3A : i32
    %jit3A = arith.constant 0 : i32
    %jit3A_1 = arith.constant 3 : i32
    %max3A = arith.maxsi %jit3A, %sub3A_0 : i32
    %min3A = arith.minsi %jit3A_1, %max3A : i32
    %c0_i32 = arith.constant 0 : i32
    %c0_i32_2 = arith.constant 0 : i32
    return %c0_i32, %min3A : i32, i32
  }
  func.func @transform_9(%arg0: i32) -> (i32, i32) {
    %sub3A = arith.constant 4 : i32
    %sub3A_0 = arith.subi %arg0, %sub3A : i32
    %jit3A = arith.constant 0 : i32
    %jit3A_1 = arith.constant 3 : i32
    %max3A = arith.maxsi %jit3A, %sub3A_0 : i32
    %min3A = arith.minsi %jit3A_1, %max3A : i32
    %c1_i32 = arith.constant 1 : i32
    %c0_i32 = arith.constant 0 : i32
    return %c1_i32, %min3A : i32, i32
  }
  func.func @transform_10(%arg0: i32) -> (i32, i32) {
    %sub3A = arith.constant 4 : i32
    %sub3A_0 = arith.subi %arg0, %sub3A : i32
    %jit3A = arith.constant 0 : i32
    %jit3A_1 = arith.constant 3 : i32
    %max3A = arith.maxsi %jit3A, %sub3A_0 : i32
    %min3A = arith.minsi %jit3A_1, %max3A : i32
    %c2_i32 = arith.constant 2 : i32
    %c0_i32 = arith.constant 0 : i32
    return %c2_i32, %min3A : i32, i32
  }
  func.func @transform_11(%arg0: i32) -> (i32, i32) {
    %sub3A = arith.constant 4 : i32
    %sub3A_0 = arith.subi %arg0, %sub3A : i32
    %jit3A = arith.constant 0 : i32
    %jit3A_1 = arith.constant 3 : i32
    %max3A = arith.maxsi %jit3A, %sub3A_0 : i32
    %min3A = arith.minsi %jit3A_1, %max3A : i32
    %c3_i32 = arith.constant 3 : i32
    %c0_i32 = arith.constant 0 : i32
    return %c3_i32, %min3A : i32, i32
  }
  func.func @transform_12(%arg0: i32) -> (i32, i32) {
    %sub3A = arith.constant 4 : i32
    %sub3A_0 = arith.subi %arg0, %sub3A : i32
    %jit3A = arith.constant 0 : i32
    %jit3A_1 = arith.constant 3 : i32
    %max3A = arith.maxsi %jit3A, %sub3A_0 : i32
    %min3A = arith.minsi %jit3A_1, %max3A : i32
    %c0_i32 = arith.constant 0 : i32
    %c0_i32_2 = arith.constant 0 : i32
    return %c0_i32, %min3A : i32, i32
  }
  func.func @transform_13(%arg0: i32) -> (i32, i32) {
    %sub3A = arith.constant 8 : i32
    %sub3A_0 = arith.subi %arg0, %sub3A : i32
    %jit3A = arith.constant 0 : i32
    %jit3A_1 = arith.constant 3 : i32
    %max3A = arith.maxsi %jit3A, %sub3A_0 : i32
    %min3A = arith.minsi %jit3A_1, %max3A : i32
    %c0_i32 = arith.constant 0 : i32
    %c0_i32_2 = arith.constant 0 : i32
    return %c0_i32, %min3A : i32, i32
  }
  func.func @transform_14(%arg0: i32) -> (i32, i32) {
    %sub3A = arith.constant 8 : i32
    %sub3A_0 = arith.subi %arg0, %sub3A : i32
    %jit3A = arith.constant 0 : i32
    %jit3A_1 = arith.constant 3 : i32
    %max3A = arith.maxsi %jit3A, %sub3A_0 : i32
    %min3A = arith.minsi %jit3A_1, %max3A : i32
    %c1_i32 = arith.constant 1 : i32
    %c0_i32 = arith.constant 0 : i32
    return %c1_i32, %min3A : i32, i32
  }
  func.func @transform_15(%arg0: i32) -> (i32, i32) {
    %sub3A = arith.constant 8 : i32
    %sub3A_0 = arith.subi %arg0, %sub3A : i32
    %jit3A = arith.constant 0 : i32
    %jit3A_1 = arith.constant 3 : i32
    %max3A = arith.maxsi %jit3A, %sub3A_0 : i32
    %min3A = arith.minsi %jit3A_1, %max3A : i32
    %c2_i32 = arith.constant 2 : i32
    %c0_i32 = arith.constant 0 : i32
    return %c2_i32, %min3A : i32, i32
  }
  func.func @transform_16(%arg0: i32) -> (i32, i32) {
    %sub3A = arith.constant 8 : i32
    %sub3A_0 = arith.subi %arg0, %sub3A : i32
    %jit3A = arith.constant 0 : i32
    %jit3A_1 = arith.constant 3 : i32
    %max3A = arith.maxsi %jit3A, %sub3A_0 : i32
    %min3A = arith.minsi %jit3A_1, %max3A : i32
    %c3_i32 = arith.constant 3 : i32
    %c0_i32 = arith.constant 0 : i32
    return %c3_i32, %min3A : i32, i32
  }
  func.func @transform_17(%arg0: i32) -> (i32, i32) {
    %sub3A = arith.constant 8 : i32
    %sub3A_0 = arith.subi %arg0, %sub3A : i32
    %jit3A = arith.constant 0 : i32
    %jit3A_1 = arith.constant 3 : i32
    %max3A = arith.maxsi %jit3A, %sub3A_0 : i32
    %min3A = arith.minsi %jit3A_1, %max3A : i32
    %c0_i32 = arith.constant 0 : i32
    %c0_i32_2 = arith.constant 0 : i32
    return %c0_i32, %min3A : i32, i32
  }
  func.func @transform_18(%arg0: i32) -> (i32, i32) {
    %sub3A = arith.constant 8 : i32
    %sub3A_0 = arith.subi %arg0, %sub3A : i32
    %jit3A = arith.constant 0 : i32
    %jit3A_1 = arith.constant 3 : i32
    %max3A = arith.maxsi %jit3A, %sub3A_0 : i32
    %min3A = arith.minsi %jit3A_1, %max3A : i32
    %c0_i32 = arith.constant 0 : i32
    %c0_i32_2 = arith.constant 0 : i32
    return %min3A, %c0_i32 : i32, i32
  }
  func.func @transform_19(%arg0: i32) -> (i32, i32) {
    %c0_i32 = arith.constant 0 : i32
    %c0_i32_0 = arith.constant 0 : i32
    %c0_i32_1 = arith.constant 0 : i32
    return %c0_i32, %c0_i32_0 : i32, i32
  }
  func.func @transform_20(%arg0: i32) -> (i32, i32) {
    %c0_i32 = arith.constant 0 : i32
    %c0_i32_0 = arith.constant 0 : i32
    %c0_i32_1 = arith.constant 0 : i32
    return %c0_i32, %c0_i32_0 : i32, i32
  }
  func.func @transform_21(%arg0: i32) -> (i32, i32) {
    %c0_i32 = arith.constant 0 : i32
    %c0_i32_0 = arith.constant 0 : i32
    %c0_i32_1 = arith.constant 0 : i32
    return %c0_i32, %c0_i32_0 : i32, i32
  }
  func.func @transform_22(%arg0: i32) -> (i32, i32) {
    %c0_i32 = arith.constant 0 : i32
    %c0_i32_0 = arith.constant 0 : i32
    %c0_i32_1 = arith.constant 0 : i32
    return %c0_i32, %c0_i32_0 : i32, i32
  }
  func.func @transform_23(%arg0: i32) -> (i32, i32) {
    %c0_i32 = arith.constant 0 : i32
    %c0_i32_0 = arith.constant 0 : i32
    %c0_i32_1 = arith.constant 0 : i32
    return %c0_i32, %c0_i32_0 : i32, i32
  }
  func.func @transform_24(%arg0: i32) -> (i32, i32) {
    %c0_i32 = arith.constant 0 : i32
    %c0_i32_0 = arith.constant 0 : i32
    %c0_i32_1 = arith.constant 0 : i32
    return %c0_i32, %c0_i32_0 : i32, i32
  }
  func.func @transform_25(%arg0: i32) -> (i32, i32) {
    %c0_i32 = arith.constant 0 : i32
    %c0_i32_0 = arith.constant 0 : i32
    %c0_i32_1 = arith.constant 0 : i32
    return %c0_i32, %c0_i32_0 : i32, i32
  }
  func.func @transform_26(%arg0: i32) -> (i32, i32) {
    %c0_i32 = arith.constant 0 : i32
    %c0_i32_0 = arith.constant 0 : i32
    %c0_i32_1 = arith.constant 0 : i32
    return %c0_i32, %c0_i32_0 : i32, i32
  }
}

</mosaic_0001>

<sc_bundles>
// kernel: kernel.4.cloned.1.call-start
scs
__scs_entry_jumppad:
0x0: {  	(pc) =	sbr.rel $0x88, $3  }
0x1: {  	(tag) =	ssettag $0x0;
	lr =	simm.s32 $0x1  }
0x2: {  	[smem:$0x3F94] =	sst lr;
	_ =	strace $0xD0000000  }
0x3: {  	_ = 	snop  }
0x4: {  	_ = 	snop  }
0x5: {  	_ = 	snop  }
0x6: {  	_ = 	snop  }
0x7: {  	_ = 	snop  }
__scs_overlays_trampoline_lowered:
0x8: {  	[smem:$0x3FA3] =	sst s0  }
0x9: {  	[smem:$0x3FA4] =	sst s1  }
0xa: {  	[smem:$0x3FA5] =	sst s2  }
0xb: {  	[smem:$0x3FA6] =	sst s3  }
0xc: {  	[smem:$0x3FA7] =	sst s4  }
0xd: {  	[smem:$0x3FA8] =	sst s5  }
0xe: {  	[smem:$0x3FA9] =	sst s6  }
0xf: {  	[smem:$0x3FAA] =	sst s7  }
0x10: {  	[smem:$0x3FAB] =	sst s8  }
0x11: {  	[smem:$0x3FAC] =	sst s9;
	s0 =	simm.s32 @!p0 $0x0  }
0x12: {  	s1 =	sld [smem:$0x3F92];
	s0 =	simm.s32 @p0 $0x1  }
0x13: {  	[smem:$0x3FAD] =	sst s0;
	s0 =	simm.s32 @!p1 $0x0  }
0x14: {  	s2 =	sld [smem:$0x3F91];
	s0 =	simm.s32 @p1 $0x1  }
0x15: {  	[smem:$0x3FAE] =	sst s0;
	s0 =	simm.s32 @!p2 $0x0  }
0x16: {  	s3 =	sld [smem:$0x3FDB];
	s0 =	simm.s32 @p2 $0x1  }
0x17: {  	s4 =	simm.s32 $0x1BF5;
	[smem:$0x3FB0] =	sst s0  }
0x18: {  	s0 =	sld [smem:$0x3F93];
	_ =	swait.ge [sflag:s4], $0x0  }
0x19: {  	s7 =	sld [smem:$0x3F94]  }
0x1a: {  	s8 =	sadd.s32 $0xFFFFE003, lr  }
0x1b: {  	s9 =	sadd.s32 $0xFFFFFEF7, lr;
	s5 =	simm.s32 $0xFFFFFFFF;
	p2 =	slt.u32 s8, $0xFFFFF086  }
0x1c: {  	p1 =	slt.u32 s9, $0xF7A;
	s5 =	simm.s32 @!p2 $0x0  }
0x1d: {  	s5 =	simm.s32 @p1 $0x1;
	p0 =	seq.s32 s7, s2  }
0x1e: {  	s7 =	smul.u32 @!p0 $0xF7A, s2;
	p2 =	seq.s32 @!p0 s5, $0x0  }
0x1f: {  	s9 =	smul.u32 $0xF7A, s1;
	s8 =	simm.s32 @!p0 $0x1BF5;
	p2 =	por !p2, p0  }
0x20: {  	[sflag:s8] =	ssyncset.s32 @!p0 $0xFFFFF086;
	s6 =	sadd.s32 @!p0 s3, s7;
	s7 =	simm.s32 @!p0 $0x108  }
0x21: {  	s3 =	sadd.s32 s3, s9;
	s6 =	sadd.s32 @!p0 $0x88, s6;
	s7 =	simm.s32 @p2 $0x1082  }
0x22: {  	[simem:s7], [sflag:s8] =	dma.local @!p0 [hbm:s6], $0xF7A  }
0x23: {  	s9 =	sor.u32 $0xD0000000, s2;
	s6 =	simm.s32 $0x108;
	_ =	swait.ge @!p0 [sflag:s8], $0x0  }
0x24: {  	s3 =	sadd.s32 $0x88, s3;
	s6 =	simm.s32 @!p1 $0x1082;
	[sflag:s4] =	ssyncset.s32 $0xFFFFF086  }
0x25: {  	[simem:s6], [sflag:s4] =	dma.local [hbm:s3], $0xF7A  }
0x26: {  	[smem:$0x3F94] =	sst s1;
	(tag) =	ssettag s2;
	_ =	strace s9  }
0x27: {  	s1 =	sld [smem:$0x3FA4]  }
0x28: {  	s2 =	sld [smem:$0x3FA5]  }
0x29: {  	s4 =	sld [smem:$0x3FA7]  }
0x2a: {  	p0 =	seq.s32 s5, $0x0;
	s5 =	sld [smem:$0x3FA8]  }
0x2b: {  	s6 =	sld [smem:$0x3FA9]  }
0x2c: {  	s7 =	sld [smem:$0x3FAA]  }
0x2d: {  	s3 =	simm.s32 $0x108;
	s8 =	sld [smem:$0x3FAB]  }
0x2e: {  	s3 =	simm.s32 @!p0 $0x1082;
	s9 =	sld [smem:$0x3FAC]  }
0x2f: {  	lr =	sadd.s32 s0, s3;
	s0 =	sld [smem:$0x3FA3]  }
0x30: {  	s3 =	sld [smem:$0x3FA6]  }
0x31: {  	[smem:$0x3FAF] =	sst s10  }
0x32: {  	s10 =	sld [smem:$0x3FAD];
	_ =	sdelay $0x3  }
0x33: {  	p0 =	seq.s32 s10, $0x1;
	s10 =	sld [smem:$0x3FAF];
	_ =	sdelay $0x3  }
0x34: {  	[smem:$0x3FAF] =	sst s10  }
0x35: {  	s10 =	sld [smem:$0x3FAE];
	_ =	sdelay $0x3  }
0x36: {  	p1 =	seq.s32 s10, $0x1;
	s10 =	sld [smem:$0x3FAF];
	_ =	sdelay $0x3  }
0x37: {  	[smem:$0x3FAF] =	sst s10  }
0x38: {  	s10 =	sld [smem:$0x3FB0]  }
0x39: {  	_ = 	snop;
	(pc) =	sbr.ind lr, $3  }
0x3a: {  	_ = 	snop  }
0x3b: {  	_ = 	snop  }
0x3c: {  	p2 =	seq.s32 s10, $0x1;
	s10 =	sld [smem:$0x3FAF]  }
0x3d: {  	_ =	shalt  }
0x3e: {  	_ =	shalt  }
0x3f: {  	_ =	shalt  }
0x40: {  	_ =	shalt  }
0x41: {  	_ =	shalt  }
0x42: {  	_ =	shalt  }
0x43: {  	_ =	shalt  }
0x44: {  	_ =	shalt  }
0x45: {  	_ =	shalt  }
0x46: {  	_ =	shalt  }
0x47: {  	_ =	shalt  }
0x48: {  	_ =	shalt  }
0x49: {  	_ =	shalt  }
0x4a: {  	_ =	shalt  }
0x4b: {  	_ =	shalt  }
0x4c: {  	_ =	shalt  }
0x4d: {  	_ =	shalt  }
0x4e: {  	_ =	shalt  }
0x4f: {  	_ =	shalt  }
0x50: {  	_ =	shalt  }
0x51: {  	_ =	shalt  }
0x52: {  	_ =	shalt  }
0x53: {  	_ =	shalt  }
0x54: {  	_ =	shalt  }
0x55: {  	_ =	shalt  }
0x56: {  	_ =	shalt  }
0x57: {  	_ =	shalt  }
0x58: {  	_ =	shalt  }
0x59: {  	_ =	shalt  }
0x5a: {  	_ =	shalt  }
0x5b: {  	_ =	shalt  }
0x5c: {  	_ =	shalt  }
0x5d: {  	_ =	shalt  }
0x5e: {  	_ =	shalt  }
0x5f: {  	_ =	shalt  }
0x60: {  	_ =	shalt  }
0x61: {  	_ =	shalt  }
0x62: {  	_ =	shalt  }
0x63: {  	_ =	shalt  }
0x64: {  	_ =	shalt  }
0x65: {  	_ =	shalt  }
0x66: {  	_ =	shalt  }
0x67: {  	_ =	shalt  }
0x68: {  	_ =	shalt  }
0x69: {  	_ =	shalt  }
0x6a: {  	_ =	shalt  }
0x6b: {  	_ =	shalt  }
0x6c: {  	_ =	shalt  }
0x6d: {  	_ =	shalt  }
0x6e: {  	_ =	shalt  }
0x6f: {  	_ =	shalt  }
0x70: {  	_ =	shalt  }
0x71: {  	_ =	shalt  }
0x72: {  	_ =	shalt  }
0x73: {  	_ =	shalt  }
0x74: {  	_ =	shalt  }
0x75: {  	_ =	shalt  }
0x76: {  	_ =	shalt  }
0x77: {  	_ =	shalt  }
0x78: {  	_ =	shalt  }
0x79: {  	_ =	shalt  }
0x7a: {  	_ =	shalt  }
0x7b: {  	_ =	shalt  }
0x7c: {  	_ =	shalt  }
0x7d: {  	_ =	shalt  }
0x7e: {  	_ =	shalt  }
0x7f: {  	_ =	shalt  }
0x80: {  	_ =	shalt  }
0x81: {  	_ =	shalt  }
0x82: {  	_ =	shalt  }
0x83: {  	_ =	shalt  }
0x84: {  	_ =	shalt  }
0x85: {  	_ =	shalt  }
0x86: {  	_ =	shalt  }
0x87: {  	_ =	shalt  }
.Lfunc_end0:
.L_simem_size_0:
called_computation_lowered:
.L_overlay_start_0:
0x88: {  	s2 =	sld [smem:$0x3FD9]  }
0x89: {  	s3 =	sld [smem:$0x3FFE];
	_ =	sdelay $0x1  }
0x8a: {  	s1 =	srdreg.scid  }
0x8b: {  	s0 =	sand.u32 $0x1, s1  }
0x8c: {  	s17 =	sshll.u32 s0, $0xA;
	s2 =	sadd.s32 s3, s2  }
0x8d: {  	s2 =	sadd.s32 s2, s17  }
0x8e: {  	[smem:$0x3FBB] =	sst s2  }
0x8f: {  	_ = 	snop  }
0x90: {  	s2 =	sld [smem:$0x3FC8]  }
0x91: {  	s18 =	sld [smem:$0x3FC7];
	(tm) =	ssettm $0x1  }
0x92: {  	s4 =	sld [smem:$0x3FFB];
	_ =	sdelay $0x3  }
0x93: {  	_ =	strace s4  }
0x94: {  	s4 =	sld [smem:$0x3FFC];
	_ =	sdelay $0x3  }
0x95: {  	_ =	strace s4  }
0x96: {  	s4 =	sld [smem:$0x3FFD];
	_ =	sdelay $0x3  }
0x97: {  	_ =	strace s4  }
0x98: {  	_ =	strace $0x8FFFFFFF  }
0x99: {  	s19 =	sld [smem:$0x3FDB];
	_ =	sdelay $0x1  }
0x9a: {  	s5 =	simm.s32 $_scs_section_size  }
0x9b: {  	s6 =	simm.s32 $_size__tile_overlayer_lowered;
	s7 =	simm.s32 $_tile_overlayer_lowered  }
0x9c: {  	s22 =	simm.s32 $0x1BFF;
	s21 =	sshll.u32 s7, $0x1;
	s4 =	sadd.s32 s5, s19  }
0x9d: {  	s8 =	simm.s32 $0x0;
	s20 =	sshll.u32 s6, $0x1;
	s6 =	sadd.s32 s21, s4  }
0x9e: {  	[timem:s8], [sflag:s22] =	dma.local [hbm:s6], s20  }
0x9f: {  	_ =	swait.ge [sflag:s22], s20  }
0xa0: {  	s5 =	ssub.s32 $0x0, s20;
	[sflag:s22] =	ssyncset.done $0x0  }
0xa1: {  	[sflag:s22] =	ssyncadd.s32 s5;
	_ =	sdelay $0x1  }
0xa2: {  	s23 =	simm.s32 $0x1B8B  }
0xa3: {  	_ =	swait.ge [sflag:s23], $0x1  }
0xa4: {  	[sflag:s23] =	ssyncset.done $0x0  }
0xa5: {  	s25 =	simm.s32 $0x1B8E;
	s24 =	sld [smem:$0x3FFE];
	[sflag:s23] =	ssyncadd.s32 $0xFFFFFFFF  }
0xa6: {  	s26 =	simm.s32 $execute0_lowered;
	[smem:$0x3FD2] =	sst s25  }
0xa7: {  	s6 =	sshll.u32 s26, $0x1;
	_ =	strace $0x80000046;
	[dreg:$0x1] =	wrdreg $0xFFFFFFFF  }
0xa8: {  	s28 =	simm.s32 $_size_execute0_lowered;
	s4 =	sadd.s32 s4, s6;
	[dreg:$0x0] =	wrdreg $0x0  }
0xa9: {  	s6 =	sshll.u32 s28, $0x1;
	[dreg:$0x2] =	wrdreg s4  }
0xaa: {  	[dreg:$0x3] =	wrdreg s6  }
0xab: {  	[dreg:$0x4] =	wrdreg $0xC0  }
0xac: {  	_ =	task [dreg:s8], $0x5FFFF  }
0xad: {  	[dreg:$0x1] =	wrdreg $0xFFFFFFFF  }
0xae: {  	[dreg:$0x0] =	wrdreg $0x60  }
0xaf: {  	[dreg:$0x2] =	wrdreg s18  }
0xb0: {  	[dreg:$0x3] =	wrdreg s2  }
0xb1: {  	[dreg:$0x4] =	wrdreg s24  }
0xb2: {  	[dreg:$0x5] =	wrdreg $0x9  }
0xb3: {  	_ =	task.clear_ibuf [dreg:s8], $0x6FFFF;
	_ =	strace $0x90000046  }
0xb4: {  	s29 =	simm.s32 $0x9;
	_ =	strace $0x80000048  }
0xb5: {  	_ =	swait.ge [sflag:s29], $0x1  }
0xb6: {  	[sflag:s29] =	ssyncadd.s32 $0xFFFFFFFF  }
0xb7: {  	_ =	strace $0x90000048  }
0xb8: {  	_ =	sfence  }
0xb9: {  	s30 =	sld [smem:$0x0];
	_ =	sdelay $0x2  }
0xba: {  	s31 =	sshll.u32 s1, $0xD;
	s1 =	sshrl.u32 s1, $0x2  }
0xbb: {  	s3 =	sand.u32 $0x4000, s31;
	s1 =	sadd.s32 s1, s30  }
0xbc: {  	s0 =	sor.u32 s3, s0;
	s1 =	sshll.u32 s1, $0x11  }
0xbd: {  	s0 =	sor.u32 s1, s0  }
0xbe: {  	s0 =	sadd.s32 $0x8F2B, s0  }
0xbf: {  	[sflag:s0] =	ssyncadd.remote.s32 $0x1  }
0xc0: {  	_ =	sfence.sel $0xFFFF  }
0xc1: {  	[dreg:$0x0] =	wrdreg $0xFFFFFFFF;
	(pc) =	sbr.abs _section_cstart, $3  }
0xc2: {  	[dreg:$0x1] =	wrdreg $0xFFFFFFFF  }
0xc3: {  	_ =	task.clear_ibuf [dreg:s8], $0x2FFFF;
	_ =	strace $0x9FFFFFFF  }
0xc4: {  	(tm) =	ssettm $0x7FFFFFFF  }
0xc5: {  	_ =	shalt  }
tec
execute0_lowered:
.L_overlay_start_1:
0x0: {  	(tag) =	ssettag $0x1  }
0x1: {  	s2 =	srdreg.scid  }
0x2: {  	s1 =	rddreg [dreg:$0x0];
	s0 =	stileid.u32;
	s5 =	sand.u32 $0x1, s2  }
0x3: {  	s3 =	rddreg [dreg:$0x1];
	s30 =	sshll.u32 s0, $0x5;
	s4 =	sshll.u32 s5, $0x4  }
0x4: {  	s6 =	rddreg [dreg:$0x2];
	s10 =	simm.s32 $0x0;
	s8 =	sor.u32 s4, s30  }
0x5: {  	s2 =	rddreg [dreg:$0x3];
	s5 =	ssub.s32 $0x2, s5;
	s7 =	sshrl.u32 s8, $0x3  }
0x6: {  	s4 =	simm.s32 $0x0;
	s9 =	sshrl.u32 s5, $0x1;
	s7 =	smul.u32 $0x280, s7  }
0x7: {  	[smem:$0x7FF] =	sst s4;
	s31 =	ssub.s32 s5, s9;
	v0 =	vmov s8;
	s8 =	simm.s32 $0x400  }
0x8: {  	s9 =	simm.s32 $0x800;
	_ =	strace $0x80000047;
	s6 =	sadd.s32 s7, s6  }
0x9: {  	v1 =	vimm.f32 $0.0e+00;
	v2 =	vimm.f32 $1.000000000e+00;
	s7 =	simm.s32 $0x1;
	s5 =	sadd.s32 $0x800, s6;
	s6 =	smax.u32 s31, $0x1  }
.LBB2_1:
0xa: {  	[tilespmem:s4], [sflag:$0x1] =	stream.linear.gather [hbm4b:s1+s4], $0x400, $0x38;
	[tilespmem:$0x4400] =	vst v63  }
0xb: {  	_ =	swait.ge [sflag:s7], $0x400  }
0xc: {  	s11 =	simm.s32 $0x0;
	[sflag:s7] =	ssyncset.done $0x0  }
0xd: {  	s11 =	smul.u32 $0x5000, s11;
	[sflag:s7] =	ssyncadd.s32 $0xFFFFFC00  }
0xe: {  	[tilespmem:s8], [sflag:$0x1] =	stream.linear.gather [hbm4b:s3+s4], $0x400, $0x38;
	[tilespmem:$0x4400] =	vst v63  }
0xf: {  	_ =	swait.ge [sflag:s7], $0x400  }
0x10: {  	s12 =	sand.u32 $0x380, s4;
	s11 =	sshra.s32 s11, $0x2;
	[sflag:s7] =	ssyncset.done $0x0  }
0x11: {  	s11 =	sor.u32 s12, s11;
	[sflag:s7] =	ssyncadd.s32 $0xFFFFFC00  }
0x12: {  	[tilespmem:s11+$0x1800] =	vst v1  }
0x13: {  	[tilespmem:s11+$0x800] =	vst v1  }
0x14: {  	[tilespmem:s11+$0x810] =	vst v1  }
0x15: {  	[tilespmem:s11+$0x820] =	vst v1  }
0x16: {  	[tilespmem:s11+$0x830] =	vst v1  }
0x17: {  	[tilespmem:s11+$0x840] =	vst v1  }
0x18: {  	[tilespmem:s11+$0x850] =	vst v1  }
0x19: {  	[tilespmem:s11+$0x860] =	vst v1  }
0x1a: {  	[tilespmem:s11+$0x870] =	vst v1  }
0x1b: {  	[tilespmem:s11+$0xC00] =	vst v1  }
0x1c: {  	[tilespmem:s11+$0xC10] =	vst v1  }
0x1d: {  	[tilespmem:s11+$0xC20] =	vst v1  }
0x1e: {  	[tilespmem:s11+$0xC30] =	vst v1  }
0x1f: {  	[tilespmem:s11+$0xC40] =	vst v1  }
0x20: {  	[tilespmem:s11+$0xC50] =	vst v1  }
0x21: {  	[tilespmem:s11+$0xC60] =	vst v1  }
0x22: {  	[tilespmem:s11+$0xC70] =	vst v1  }
0x23: {  	[tilespmem:s11+$0x1000] =	vst v1  }
0x24: {  	[tilespmem:s11+$0x1010] =	vst v1  }
0x25: {  	[tilespmem:s11+$0x1020] =	vst v1  }
0x26: {  	[tilespmem:s11+$0x1030] =	vst v1  }
0x27: {  	[tilespmem:s11+$0x1040] =	vst v1  }
0x28: {  	[tilespmem:s11+$0x1050] =	vst v1  }
0x29: {  	[tilespmem:s11+$0x1060] =	vst v1  }
0x2a: {  	[tilespmem:s11+$0x1070] =	vst v1  }
0x2b: {  	[tilespmem:s11+$0x1400] =	vst v1  }
0x2c: {  	[tilespmem:s11+$0x1410] =	vst v1  }
0x2d: {  	[tilespmem:s11+$0x1420] =	vst v1  }
0x2e: {  	s14 =	simm.s32 $0x0;
	s13 =	simm.s32 $0x2;
	s12 =	simm.s32 $0x0;
	[tilespmem:s11+$0x1430] =	vst v1  }
.LBB2_2:
0x2f: {  	p0 =	sne.s32 s13, $0x17;
	s14 =	smul.u32 $0x5000, s14;
	[tilespmem:s11+$0x1440] =	vst v1  }
0x30: {  	s12 =	sadd.s32 $0x80, s12;
	[tilespmem:s11+$0x1450] =	vst v1  }
0x31: {  	s15 =	sand.u32 $0x380, s12;
	s14 =	sshra.s32 s14, $0x2;
	[tilespmem:s11+$0x1460] =	vst v1  }
0x32: {  	[tilespmem:s11+$0x1470] =	vst v1;
	s11 =	sor.u32 s15, s14  }
0x33: {  	[tilespmem:s11+$0x1800] =	vst v1  }
0x34: {  	[tilespmem:s11+$0x800] =	vst v1  }
0x35: {  	[tilespmem:s11+$0x810] =	vst v1  }
0x36: {  	[tilespmem:s11+$0x820] =	vst v1  }
0x37: {  	[tilespmem:s11+$0x830] =	vst v1  }
0x38: {  	[tilespmem:s11+$0x840] =	vst v1  }
0x39: {  	[tilespmem:s11+$0x850] =	vst v1  }
0x3a: {  	[tilespmem:s11+$0x860] =	vst v1  }
0x3b: {  	[tilespmem:s11+$0x870] =	vst v1  }
0x3c: {  	[tilespmem:s11+$0xC00] =	vst v1  }
0x3d: {  	[tilespmem:s11+$0xC10] =	vst v1  }
0x3e: {  	[tilespmem:s11+$0xC20] =	vst v1  }
0x3f: {  	[tilespmem:s11+$0xC30] =	vst v1  }
0x40: {  	[tilespmem:s11+$0xC40] =	vst v1  }
0x41: {  	[tilespmem:s11+$0xC50] =	vst v1  }
0x42: {  	[tilespmem:s11+$0xC60] =	vst v1  }
0x43: {  	[tilespmem:s11+$0xC70] =	vst v1  }
0x44: {  	[tilespmem:s11+$0x1000] =	vst v1  }
0x45: {  	[tilespmem:s11+$0x1010] =	vst v1  }
0x46: {  	[tilespmem:s11+$0x1020] =	vst v1  }
0x47: {  	[tilespmem:s11+$0x1030] =	vst v1  }
0x48: {  	[tilespmem:s11+$0x1040] =	vst v1  }
0x49: {  	[tilespmem:s11+$0x1050] =	vst v1  }
0x4a: {  	[tilespmem:s11+$0x1060] =	vst v1  }
.Ltmp0:
0x4b: {  	[tilespmem:s11+$0x1070] =	vst v1;
	(pc) =	sbr.rel @p0 .LBB2_2-.Ltmp0, $4  }
0x4c: {  	[tilespmem:s11+$0x1400] =	vst v1  }
0x4d: {  	[tilespmem:s11+$0x1410] =	vst v1  }
0x4e: {  	[tilespmem:s11+$0x1420] =	vst v1  }
0x4f: {  	s14 =	sshrl.u32 s13, $0x3;
	s13 =	sadd.s32 $0x1, s13;
	[tilespmem:s11+$0x1430] =	vst v1  }
0x50: {  	s13 =	smul.u32 $0x5000, s14;
	[tilespmem:s11+$0x1440] =	vst v1  }
0x51: {  	[tilespmem:s11+$0x1450] =	vst v1;
	s12 =	sadd.s32 $0x80, s12  }
0x52: {  	[tilespmem:s11+$0x1460] =	vst v1;
	s12 =	sand.u32 $0x380, s12;
	s13 =	sshra.s32 s13, $0x2  }
0x53: {  	[tilespmem:s11+$0x1470] =	vst v1;
	s12 =	sor.u32 s12, s13  }
0x54: {  	[tilespmem:s12+$0x1800] =	vst v1  }
0x55: {  	[tilespmem:s12+$0x800] =	vst v1  }
0x56: {  	[tilespmem:s12+$0x810] =	vst v1  }
0x57: {  	[tilespmem:s12+$0x820] =	vst v1  }
0x58: {  	[tilespmem:s12+$0x830] =	vst v1  }
0x59: {  	[tilespmem:s12+$0x840] =	vst v1  }
0x5a: {  	[tilespmem:s12+$0x850] =	vst v1  }
0x5b: {  	[tilespmem:s12+$0x860] =	vst v1  }
0x5c: {  	[tilespmem:s12+$0x870] =	vst v1  }
0x5d: {  	[tilespmem:s12+$0xC00] =	vst v1  }
0x5e: {  	[tilespmem:s12+$0xC10] =	vst v1  }
0x5f: {  	[tilespmem:s12+$0xC20] =	vst v1  }
0x60: {  	[tilespmem:s12+$0xC30] =	vst v1  }
0x61: {  	[tilespmem:s12+$0xC40] =	vst v1  }
0x62: {  	[tilespmem:s12+$0xC50] =	vst v1  }
0x63: {  	[tilespmem:s12+$0xC60] =	vst v1  }
0x64: {  	[tilespmem:s12+$0xC70] =	vst v1  }
0x65: {  	[tilespmem:s12+$0x1000] =	vst v1  }
0x66: {  	[tilespmem:s12+$0x1010] =	vst v1  }
0x67: {  	[tilespmem:s12+$0x1020] =	vst v1  }
0x68: {  	[tilespmem:s12+$0x1030] =	vst v1  }
0x69: {  	[tilespmem:s12+$0x1040] =	vst v1  }
0x6a: {  	[tilespmem:s12+$0x1050] =	vst v1  }
0x6b: {  	[tilespmem:s12+$0x1060] =	vst v1  }
0x6c: {  	[tilespmem:s12+$0x1070] =	vst v1  }
0x6d: {  	[tilespmem:s12+$0x1400] =	vst v1  }
0x6e: {  	[tilespmem:s12+$0x1410] =	vst v1  }
0x6f: {  	[tilespmem:s12+$0x1420] =	vst v1  }
0x70: {  	[tilespmem:s12+$0x1430] =	vst v1  }
0x71: {  	[tilespmem:s12+$0x1440] =	vst v1  }
0x72: {  	[tilespmem:s12+$0x1450] =	vst v1  }
0x73: {  	[tilespmem:s12+$0x1460] =	vst v1  }
0x74: {  	s11 =	simm.s32 $0x0;
	[tilespmem:s12+$0x1470] =	vst v1  }
.LBB2_4:
0x75: {  	s12 =	sshra.s32 s11, $0x2  }
0x76: {  	v3 =	vld [tilespmem:s12+$0x0];
	_ =	sdelay $0x3  }
0x77: {  	v4 =	vld [tilespmem:s12+$0x400]  }
0x78: {  	v3 =	vsub.s32 v3, v0  }
0x79: {  	vm0 =	vlt.u32 v3, $0x18  }
0x7a: {  	v3 =	vnsel vm0, $0x0, v3  }
0x7b: {  	v5 =	vshrl.u32 v3, $0x3  }
0x7c: {  	v6 =	vshll.u32 v4, $0x3;
	v5 =	vmul.u32 $0x1400, v5  }
0x7d: {  	v6 =	vand.u32 $0xFFFFFC00, v6;
	v3 =	vshll.u32 v3, $0x7  }
0x7e: {  	v3 =	vand.u32 $0x380, v3;
	v5 =	vadd.s32 v6, v5  }
0x7f: {  	v4 =	vand.u32 $0x7F, v4;
	v3 =	vor.u32 v3, v5  }
0x80: {  	v3 =	vor.u32 v4, v3;
	_ =	sdelay $0x4  }
0x81: {  	[tilespmem:v3+s9+$0x0] =	vst.idx.msk vm0, v2  }
0x82: {  	v3 =	vld [tilespmem:s12+$0x10];
	_ =	sdelay $0x3  }
0x83: {  	v55 =	vld [tilespmem:s12+$0x410]  }
0x84: {  	v3 =	vsub.s32 v3, v0  }
0x85: {  	vm13 =	vlt.u32 v3, $0x18  }
0x86: {  	v3 =	vnsel vm13, $0x0, v3  }
0x87: {  	v56 =	vshrl.u32 v3, $0x3  }
0x88: {  	v57 =	vshll.u32 v55, $0x3;
	v5 =	vmul.u32 $0x1400, v56  }
0x89: {  	v6 =	vand.u32 $0xFFFFFC00, v57;
	v3 =	vshll.u32 v3, $0x7  }
0x8a: {  	v3 =	vand.u32 $0x380, v3;
	v5 =	vadd.s32 v6, v5  }
0x8b: {  	v4 =	vand.u32 $0x7F, v55;
	v3 =	vor.u32 v3, v5  }
0x8c: {  	v3 =	vor.u32 v4, v3;
	_ =	sdelay $0x4  }
0x8d: {  	[tilespmem:v3+s9+$0x0] =	vst.idx.msk vm13, v2  }
0x8e: {  	v3 =	vld [tilespmem:s12+$0x20];
	_ =	sdelay $0x3  }
0x8f: {  	v58 =	vld [tilespmem:s12+$0x420]  }
0x90: {  	v3 =	vsub.s32 v3, v0  }
0x91: {  	vm14 =	vlt.u32 v3, $0x18  }
0x92: {  	v3 =	vnsel vm14, $0x0, v3  }
0x93: {  	v59 =	vshrl.u32 v3, $0x3  }
0x94: {  	v60 =	vshll.u32 v58, $0x3;
	v5 =	vmul.u32 $0x1400, v59  }
0x95: {  	v6 =	vand.u32 $0xFFFFFC00, v60;
	v3 =	vshll.u32 v3, $0x7  }
0x96: {  	v3 =	vand.u32 $0x380, v3;
	v5 =	vadd.s32 v6, v5  }
0x97: {  	v4 =	vand.u32 $0x7F, v58;
	v3 =	vor.u32 v3, v5  }
0x98: {  	v3 =	vor.u32 v4, v3;
	_ =	sdelay $0x4  }
0x99: {  	[tilespmem:v3+s9+$0x0] =	vst.idx.msk vm14, v2  }
0x9a: {  	v3 =	vld [tilespmem:s12+$0x30];
	_ =	sdelay $0x3  }
0x9b: {  	v61 =	vld [tilespmem:s12+$0x430]  }
0x9c: {  	v3 =	vsub.s32 v3, v0  }
0x9d: {  	vm15 =	vlt.u32 v3, $0x18  }
0x9e: {  	v3 =	vnsel vm15, $0x0, v3  }
0x9f: {  	v62 =	vshrl.u32 v3, $0x3  }
0xa0: {  	v63 =	vshll.u32 v61, $0x3;
	v5 =	vmul.u32 $0x1400, v62  }
0xa1: {  	v6 =	vand.u32 $0xFFFFFC00, v63;
	v3 =	vshll.u32 v3, $0x7  }
0xa2: {  	v3 =	vand.u32 $0x380, v3;
	v5 =	vadd.s32 v6, v5  }
0xa3: {  	v4 =	vand.u32 $0x7F, v61;
	v3 =	vor.u32 v3, v5  }
0xa4: {  	p0 =	sne.s32 s11, $0xF00;
	v3 =	vor.u32 v4, v3  }
.Ltmp1:
0xa5: {  	_ = 	snop;
	(pc) =	sbr.rel @p0 .LBB2_4-.Ltmp1, $2  }
0xa6: {  	_ =	sdelay $0x2  }
0xa7: {  	s11 =	sadd.s32 $0x100, s11;
	[tilespmem:v3+s9+$0x0] =	vst.idx.msk vm15, v2  }
0xa8: {  	s10 =	sadd.s32 $0x1, s10  }
0xa9: {  	p0 =	sne.s32 s10, s6  }
.Ltmp2:
0xaa: {  	_ = 	snop;
	(pc) =	sbr.rel @p0 .LBB2_1-.Ltmp2, $4  }
0xab: {  	[hbm4b:s5+s4] =	stream.linear.scatter [tilespmem:s9], [sflag:$0x1], $0x3C00, $0x38;
	[tilespmem:$0x4400] =	vst v63  }
0xac: {  	_ =	swait.ge [sflag:s7], $0x3C00  }
0xad: {  	[sflag:s7] =	ssyncset.done $0x0  }
0xae: {  	[sflag:s7] =	ssyncadd.s32 $0xFFFFC400  }
0xaf: {  	_ =	sfence.sel $0x180000  }
0xb0: {  	[bflag:$0x0] =	sbarrier.arrive $0xFFFF  }
0xb1: {  	p0 =	sne.s32 s0, $0x0;
	_ =	strace $0x90000047  }
0xb2: {  	s0 =	sadd.s32 @!p0 $0x100000, s2;
	[bflag:$0x2] =	sbarrier.arrive $0xFFFF  }
0xb3: {  	[sflag:s0] =	ssyncadd.tile.s32 @!p0 $0x1;
	_ =	shalt  }
.Lfunc_end2:
_tile_overlayer_lowered:
.L_overlay_start_2:
0xb4: {  	(tag) =	ssettag $0x2  }
0xb5: {  	s0 =	rddreg [dreg:$0x0];
	s2 =	stileid.u32  }
0xb6: {  	s1 =	rddreg [dreg:$0x1];
	p0 =	sne.s32 s2, $0x0  }
0xb7: {  	s3 =	rddreg [dreg:$0x2];
	[bflag:$0x3] =	sbarrier.arrive $0xFFFF;
	s2 =	simm.s32 @!p0 $0x1C01  }
0xb8: {  	[timem:s3], [sflag:s2] =	dma.local @!p0 [hbm:s0], s1  }
0xb9: {  	s0 =	simm.s32 @!p0 $0x1  }
0xba: {  	_ =	swait.ge @!p0 [sflag:s0], s1  }
0xbb: {  	s1 =	ssub.s32 @!p0 $0x0, s1;
	[sflag:s0] =	ssyncset.done @!p0 $0x0  }
0xbc: {  	[sflag:s0] =	ssyncadd.s32 @!p0 s1  }
0xbd: {  	[bflag:$0x3] =	sbarrier.arrive $0xFFFF  }
0xbe: {  	_ =	shalt  }

</sc_bundles>
